<compile_context>
chip_gen: v7x
topology: tpu7x:2x2x1
jax: 0.10.2.dev20260603
libtpu: 0.0.44.dev20260713+nightly
codegen_flags: <defaults>
</compile_context>

<pallas_src>
import functools

import jax
import jax.numpy as jnp
from jax import lax
from jax.experimental import pallas as pl
from jax.experimental.pallas import tpu as pltpu
from jax.experimental.pallas import tpu_sc as plsc

GENE_NUM = 100000
D = 64
BATCH = 4096
SEQ = 200
EPS = 1e-5

NC = 2
NS = 16
NW = NC * NS
CB = BATCH // 128
HP = BATCH // 2
UNITS = SEQ * CB
U_W = UNITS // NW
NB = 4
NG = U_W // NB



def _ln_body(t_ref, g_ref, b_ref, o_ref):
    t = t_ref[...]
    m = jnp.mean(t, axis=-1, keepdims=True)
    d = t - m
    v = jnp.mean(d * d, axis=-1, keepdims=True)
    o_ref[...] = d * lax.rsqrt(v + EPS) * g_ref[...] + b_ref[...]


def _normalize_table(table, gamma, beta):
    rows_blk = GENE_NUM // 10
    return pl.pallas_call(
        _ln_body,
        grid=(GENE_NUM // rows_blk,),
        in_specs=[
            pl.BlockSpec((rows_blk, D), lambda i: (i, 0)),
            pl.BlockSpec((1, D), lambda i: (0, 0)),
            pl.BlockSpec((1, D), lambda i: (0, 0)),
        ],
        out_specs=pl.BlockSpec((rows_blk, D), lambda i: (i, 0)),
        out_shape=jax.ShapeDtypeStruct((GENE_NUM, D), jnp.float32),
    )(table, gamma, beta)



@functools.partial(
    pl.kernel,
    mesh=plsc.VectorSubcoreMesh(core_axis_name="c", subcore_axis_name="s"),
    compiler_params=pltpu.CompilerParams(use_tc_tiling_on_sc=False),
    out_type=jax.ShapeDtypeStruct((SEQ, HP, 128), jnp.float32),
    scratch_types=[
        pltpu.VMEM((U_W, 128), jnp.int32),
        pltpu.VMEM((2 * NB, 128, D), jnp.float32),
        pltpu.SemaphoreType.DMA,
        pltpu.SemaphoreType.DMA,
    ],
)
def _gather_kernel(table_hbm, idx_hbm, out_hbm, idx_v, rows_v, gsem, osem):
    wid = lax.axis_index("s") * NC + lax.axis_index("c")
    u0 = wid * U_W

    pltpu.sync_copy(idx_hbm.at[pl.ds(u0, U_W)], idx_v)

    def gather_chunk(k, slot):
        pltpu.async_copy(table_hbm.at[idx_v.at[k]], rows_v.at[slot], gsem)

    def write_chunk(k, slot):
        u = u0 + k
        s = u // CB
        c = u % CB
        half = c // NS
        p0 = (c % NS) * 128
        pltpu.async_copy(
            rows_v.at[slot],
            out_hbm.at[s, pl.ds(p0, 128), pl.ds(half * D, D)], osem)

    def drain(sem):
        pltpu.make_async_copy(
            rows_v.at[0],
            out_hbm.at[0, pl.ds(0, 128), pl.ds(0, D)], sem).wait()

    for b in range(NB):
        gather_chunk(b, b)

    def group_step(t, t2, par):
        off = par * NB
        if par == 1:
            for _ in range(NB):
                drain(osem)
        else:
            @pl.when(t2 > 0)
            def _():
                for _ in range(NB):
                    drain(osem)
        for _ in range(NB):
            drain(gsem)
        if par == 0:
            for b in range(NB):
                gather_chunk((t + 1) * NB + b, NB + b)
        else:
            @pl.when(t2 < NG // 2 - 1)
            def _():
                for b in range(NB):
                    gather_chunk((t + 1) * NB + b, b)
        for b in range(NB):
            write_chunk(t * NB + b, off + b)

    def outer(t2, _):
        group_step(2 * t2, t2, 0)
        group_step(2 * t2 + 1, t2, 1)
        return 0

    lax.fori_loop(0, NG // 2, outer, 0)

    for _ in range(NB):
        drain(osem)



S_BLK = 4


def _tr_body(i_ref, o_ref):
    blk = i_ref[...]
    o_ref[:, :, :HP] = jnp.transpose(blk[:, :, :D], (0, 2, 1))
    o_ref[:, :, HP:] = jnp.transpose(blk[:, :, D:], (0, 2, 1))


def _transpose_pass(inter):
    return pl.pallas_call(
        _tr_body,
        grid=(SEQ // S_BLK,),
        in_specs=[pl.BlockSpec((S_BLK, HP, 128), lambda i: (i, 0, 0))],
        out_specs=pl.BlockSpec((S_BLK, D, BATCH), lambda i: (i, 0, 0)),
        out_shape=jax.ShapeDtypeStruct((SEQ, D, BATCH), jnp.float32),
    )(inter)


def kernel(x, table, gamma, beta):
    ntab = _normalize_table(table, gamma.reshape(1, D), beta.reshape(1, D))
    idx_t = x.astype(jnp.int32).T.reshape(UNITS, 128)
    inter = _gather_kernel(ntab, idx_t)
    out3 = _transpose_pass(inter)
    return jnp.transpose(out3, (2, 0, 1))

# --- scband reference (transcript-rebuilt; emitter-appended) ---
"""Pipeline reference for scband-gene-embedding-88338887344368 (READ-ONLY COPY).

The authoritative reference and input builder live on the scoring server;
editing this copy changes nothing except your own understanding.
"""

import jax, jax.numpy as jnp
import numpy as np

GENE_NUM = 100000
EMBED_DIM = 64
BATCH = 4096
SEQ = 200
EPS = 1e-5


def setup_inputs(seed: int = 0) -> dict:
    key = jax.random.key(seed)
    k1, k2 = jax.random.split(key)
    x = jax.random.randint(k1, (BATCH, SEQ), 0, GENE_NUM)
    table = jax.random.normal(k2, (GENE_NUM, EMBED_DIM), dtype=jnp.float32) * 0.02
    gamma = jnp.ones((EMBED_DIM,), dtype=jnp.float32)
    beta = jnp.zeros((EMBED_DIM,), dtype=jnp.float32)
    return {"x": x, "table": table, "gamma": gamma, "beta": beta}


def reference(x, table, gamma, beta):
    # nn.Embedding: gather rows of the table by integer index
    emb = jnp.take(table, x, axis=0)  # [B, S, D]
    # nn.LayerNorm over the last dimension (embedding_dim)
    mean = jnp.mean(emb, axis=-1, keepdims=True)
    var = jnp.var(emb, axis=-1, keepdims=True)
    normed = (emb - mean) / jnp.sqrt(var + EPS)
    return normed * gamma + beta

if __name__ == "__main__":
    import jax
    _d = setup_inputs()
    print(jax.jit(kernel)(*tuple(_d.values())))

</pallas_src>

<mosaic_0001>
#map = affine_map<(d0, d1) -> (0, 0)>
#map1 = affine_map<(d0, d1) -> (0, 0, 0)>
module attributes {stable_mosaic.version = 14 : i64} {
  func.func @_gather_kernel(%arg0: i32, %arg1: i32, %arg2: memref<100000x64xf32, #tpu.memory_space<hbm>>, %arg3: memref<6400x128xi32, #tpu.memory_space<hbm>>, %arg4: memref<200x2048x128xf32, #tpu.memory_space<hbm>>, %arg5: memref<200x128xi32, #tpu.memory_space<vmem>>, %arg6: memref<8x128x64xf32, #tpu.memory_space<vmem>>, %arg7: memref<!tpu.dma_semaphore, #tpu.memory_space<semaphore_mem>>, %arg8: memref<!tpu.dma_semaphore, #tpu.memory_space<semaphore_mem>>) attributes {dimension_semantics = [#tpu.dimension_semantics<core_parallel>, #tpu.dimension_semantics<subcore_parallel>], iteration_bounds = array<i64: 2, 16>, scalar_prefetch = 0 : i64, scratch_operands = 4 : i64, tpu.core_type = #tpu.core_type<sc_vector_subcore>, window_params = [{transform_indices = #map}, {transform_indices = #map}, {transform_indices = #map1}]} {
    %mul3A = arith.constant 2 : i32
    %mul3A_0 = arith.muli %arg1, %mul3A : i32
    %add3A = arith.addi %mul3A_0, %arg0 : i32
    %mul3A_1 = arith.constant 200 : i32
    %mul3A_2 = arith.muli %add3A, %mul3A_1 : i32
    "tpu.region"() ({
      %run_scoped3A = tpu.sem_alloc : memref<!tpu.dma_semaphore, #tpu.memory_space<semaphore_mem>>
      %dma_start3A_127 = arith.constant 0 : i32
      %dma_start3A_128 = tpu.memref_slice %arg3[%mul3A_2, %dma_start3A_127] : memref<6400x128xi32, #tpu.memory_space<hbm>> -> memref<200x128xi32, #tpu.memory_space<hbm>>
      %dma_start3A_129 = arith.constant 0 : i32
      %dma_start3A_130 = tpu.memref_slice %arg3[%mul3A_2, %dma_start3A_129] : memref<6400x128xi32, #tpu.memory_space<hbm>> -> memref<200x128xi32, #tpu.memory_space<hbm>>
      tpu.enqueue_dma source(%dma_start3A_130 : memref<200x128xi32, #tpu.memory_space<hbm>>) target(%arg5 : memref<200x128xi32, #tpu.memory_space<vmem>>) target_semaphore(%run_scoped3A : memref<!tpu.dma_semaphore, #tpu.memory_space<semaphore_mem>>)
      %dma_wait3A_131 = arith.constant 0 : i32
      %dma_wait3A_132 = tpu.memref_slice %arg3[%mul3A_2, %dma_wait3A_131] : memref<6400x128xi32, #tpu.memory_space<hbm>> -> memref<200x128xi32, #tpu.memory_space<hbm>>
      %dma_wait3A_133 = arith.constant 0 : i32
      %dma_wait3A_134 = tpu.memref_slice %arg3[%mul3A_2, %dma_wait3A_133] : memref<6400x128xi32, #tpu.memory_space<hbm>> -> memref<200x128xi32, #tpu.memory_space<hbm>>
      tpu.wait_dma2 semaphore(%run_scoped3A : memref<!tpu.dma_semaphore, #tpu.memory_space<semaphore_mem>>) src(%dma_wait3A_134 : memref<200x128xi32, #tpu.memory_space<hbm>>) dst(%arg5 : memref<200x128xi32, #tpu.memory_space<vmem>>)
      tpu.yield
    }) : () -> ()
    %dma_start3A = arith.constant 0 : i32
    %dma_start3A_3 = arith.constant 0 : i32
    %dma_start3A_4 = arith.constant 0 : i32
    %dma_start3A_5 = arith.constant 0 : i32
    %dma_start3A_6 = tpu.memref_slice %arg6[%dma_start3A_3, %dma_start3A_4, %dma_start3A_5] : memref<8x128x64xf32, #tpu.memory_space<vmem>> -> memref<1x128x64xf32, #tpu.memory_space<vmem>>
    %dma_start3A_7 = tpu.memref_squeeze %dma_start3A_6 : memref<1x128x64xf32, #tpu.memory_space<vmem>> -> memref<128x64xf32, #tpu.memory_space<vmem>>
    %dma_start3A_8 = arith.constant 0 : i32
    %dma_start3A_9 = tpu.memref_slice %arg5[%dma_start3A, %dma_start3A_8] : memref<200x128xi32, #tpu.memory_space<vmem>> -> memref<1x128xi32, #tpu.memory_space<vmem>>
    %dma_start3A_10 = tpu.memref_squeeze %dma_start3A_9 : memref<1x128xi32, #tpu.memory_space<vmem>> -> memref<128xi32, #tpu.memory_space<vmem>>
    %dma_start3A_11 = arith.constant 0 : i32
    %dma_start3A_12 = arith.constant 0 : i32
    %dma_start3A_13 = tpu.memref_slice %arg2[%dma_start3A_11, %dma_start3A_12] : memref<100000x64xf32, #tpu.memory_space<hbm>> -> memref<100000x64xf32, #tpu.memory_space<hbm>>
    tpu.enqueue_indirect_dma source(%dma_start3A_13 : memref<100000x64xf32, #tpu.memory_space<hbm>>) target(%dma_start3A_7 : memref<128x64xf32, #tpu.memory_space<vmem>>) offsets(%dma_start3A_10 : memref<128xi32, #tpu.memory_space<vmem>>) semaphore(%arg7 : memref<!tpu.dma_semaphore, #tpu.memory_space<semaphore_mem>>)
    %dma_start3A_14 = arith.constant 1 : i32
    %dma_start3A_15 = arith.constant 1 : i32
    %dma_start3A_16 = arith.constant 0 : i32
    %dma_start3A_17 = arith.constant 0 : i32
    %dma_start3A_18 = tpu.memref_slice %arg6[%dma_start3A_15, %dma_start3A_16, %dma_start3A_17] : memref<8x128x64xf32, #tpu.memory_space<vmem>> -> memref<1x128x64xf32, #tpu.memory_space<vmem>>
    %dma_start3A_19 = tpu.memref_squeeze %dma_start3A_18 : memref<1x128x64xf32, #tpu.memory_space<vmem>> -> memref<128x64xf32, #tpu.memory_space<vmem>>
    %dma_start3A_20 = arith.constant 0 : i32
    %dma_start3A_21 = tpu.memref_slice %arg5[%dma_start3A_14, %dma_start3A_20] : memref<200x128xi32, #tpu.memory_space<vmem>> -> memref<1x128xi32, #tpu.memory_space<vmem>>
    %dma_start3A_22 = tpu.memref_squeeze %dma_start3A_21 : memref<1x128xi32, #tpu.memory_space<vmem>> -> memref<128xi32, #tpu.memory_space<vmem>>
    %dma_start3A_23 = arith.constant 0 : i32
    %dma_start3A_24 = arith.constant 0 : i32
    %dma_start3A_25 = tpu.memref_slice %arg2[%dma_start3A_23, %dma_start3A_24] : memref<100000x64xf32, #tpu.memory_space<hbm>> -> memref<100000x64xf32, #tpu.memory_space<hbm>>
    tpu.enqueue_indirect_dma source(%dma_start3A_25 : memref<100000x64xf32, #tpu.memory_space<hbm>>) target(%dma_start3A_19 : memref<128x64xf32, #tpu.memory_space<vmem>>) offsets(%dma_start3A_22 : memref<128xi32, #tpu.memory_space<vmem>>) semaphore(%arg7 : memref<!tpu.dma_semaphore, #tpu.memory_space<semaphore_mem>>)
    %dma_start3A_26 = arith.constant 2 : i32
    %dma_start3A_27 = arith.constant 2 : i32
    %dma_start3A_28 = arith.constant 0 : i32
    %dma_start3A_29 = arith.constant 0 : i32
    %dma_start3A_30 = tpu.memref_slice %arg6[%dma_start3A_27, %dma_start3A_28, %dma_start3A_29] : memref<8x128x64xf32, #tpu.memory_space<vmem>> -> memref<1x128x64xf32, #tpu.memory_space<vmem>>
    %dma_start3A_31 = tpu.memref_squeeze %dma_start3A_30 : memref<1x128x64xf32, #tpu.memory_space<vmem>> -> memref<128x64xf32, #tpu.memory_space<vmem>>
    %dma_start3A_32 = arith.constant 0 : i32
    %dma_start3A_33 = tpu.memref_slice %arg5[%dma_start3A_26, %dma_start3A_32] : memref<200x128xi32, #tpu.memory_space<vmem>> -> memref<1x128xi32, #tpu.memory_space<vmem>>
    %dma_start3A_34 = tpu.memref_squeeze %dma_start3A_33 : memref<1x128xi32, #tpu.memory_space<vmem>> -> memref<128xi32, #tpu.memory_space<vmem>>
    %dma_start3A_35 = arith.constant 0 : i32
    %dma_start3A_36 = arith.constant 0 : i32
    %dma_start3A_37 = tpu.memref_slice %arg2[%dma_start3A_35, %dma_start3A_36] : memref<100000x64xf32, #tpu.memory_space<hbm>> -> memref<100000x64xf32, #tpu.memory_space<hbm>>
    tpu.enqueue_indirect_dma source(%dma_start3A_37 : memref<100000x64xf32, #tpu.memory_space<hbm>>) target(%dma_start3A_31 : memref<128x64xf32, #tpu.memory_space<vmem>>) offsets(%dma_start3A_34 : memref<128xi32, #tpu.memory_space<vmem>>) semaphore(%arg7 : memref<!tpu.dma_semaphore, #tpu.memory_space<semaphore_mem>>)
    %dma_start3A_38 = arith.constant 3 : i32
    %dma_start3A_39 = arith.constant 3 : i32
    %dma_start3A_40 = arith.constant 0 : i32
    %dma_start3A_41 = arith.constant 0 : i32
    %dma_start3A_42 = tpu.memref_slice %arg6[%dma_start3A_39, %dma_start3A_40, %dma_start3A_41] : memref<8x128x64xf32, #tpu.memory_space<vmem>> -> memref<1x128x64xf32, #tpu.memory_space<vmem>>
    %dma_start3A_43 = tpu.memref_squeeze %dma_start3A_42 : memref<1x128x64xf32, #tpu.memory_space<vmem>> -> memref<128x64xf32, #tpu.memory_space<vmem>>
    %dma_start3A_44 = arith.constant 0 : i32
    %dma_start3A_45 = tpu.memref_slice %arg5[%dma_start3A_38, %dma_start3A_44] : memref<200x128xi32, #tpu.memory_space<vmem>> -> memref<1x128xi32, #tpu.memory_space<vmem>>
    %dma_start3A_46 = tpu.memref_squeeze %dma_start3A_45 : memref<1x128xi32, #tpu.memory_space<vmem>> -> memref<128xi32, #tpu.memory_space<vmem>>
    %dma_start3A_47 = arith.constant 0 : i32
    %dma_start3A_48 = arith.constant 0 : i32
    %dma_start3A_49 = tpu.memref_slice %arg2[%dma_start3A_47, %dma_start3A_48] : memref<100000x64xf32, #tpu.memory_space<hbm>> -> memref<100000x64xf32, #tpu.memory_space<hbm>>
    tpu.enqueue_indirect_dma source(%dma_start3A_49 : memref<100000x64xf32, #tpu.memory_space<hbm>>) target(%dma_start3A_43 : memref<128x64xf32, #tpu.memory_space<vmem>>) offsets(%dma_start3A_46 : memref<128xi32, #tpu.memory_space<vmem>>) semaphore(%arg7 : memref<!tpu.dma_semaphore, #tpu.memory_space<semaphore_mem>>)
    %scan3A = arith.constant 0 : i32
    %scan3A_50 = arith.constant 0 : i32
    %scan3A_51 = arith.constant 25 : i32
    %scan3A_52 = arith.addi %scan3A_50, %scan3A_51 : i32
    %scan3A_53 = arith.constant 1 : i32
    %scan3A_54 = scf.for %scan3A_127 = %scan3A_50 to %scan3A_52 step %scan3A_53 iter_args(%scan3A_128 = %scan3A) -> (i32)  : i32 {
      %mul3A_129 = arith.constant 2 : i32
      %mul3A_130 = arith.muli %mul3A_129, %scan3A_127 : i32
      %gt3A = arith.constant 0 : i32
      %gt3A_131 = arith.cmpi sgt, %scan3A_127, %gt3A : i32
      %convert_element_type3A = arith.extui %gt3A_131 : i1 to i32
      %cond3A = arith.constant 0 : i32
      %cond3A_132 = arith.cmpi ne, %convert_element_type3A, %cond3A : i32
      scf.if %cond3A_132 {
        %dma_wait3A_1233 = arith.constant 0 : i32
        %dma_wait3A_1234 = arith.constant 0 : i32
        %dma_wait3A_1235 = arith.constant 0 : i32
        %dma_wait3A_1236 = arith.constant 0 : i32
        %dma_wait3A_1237 = tpu.memref_slice %arg6[%dma_wait3A_1233, %dma_wait3A_1235, %dma_wait3A_1236] : memref<8x128x64xf32, #tpu.memory_space<vmem>> -> memref<1x128x64xf32, #tpu.memory_space<vmem>>
        %dma_wait3A_1238 = tpu.memref_squeeze %dma_wait3A_1237 : memref<1x128x64xf32, #tpu.memory_space<vmem>> -> memref<128x64xf32, #tpu.memory_space<vmem>>
        %dma_wait3A_1239 = arith.constant 0 : i32
        %dma_wait3A_1240 = arith.constant 0 : i32
        %dma_wait3A_1241 = tpu.memref_slice %arg4[%dma_wait3A_1234, %dma_wait3A_1239, %dma_wait3A_1240] : memref<200x2048x128xf32, #tpu.memory_space<hbm>> -> memref<1x128x64xf32, #tpu.memory_space<hbm>>
        %dma_wait3A_1242 = tpu.memref_squeeze %dma_wait3A_1241 : memref<1x128x64xf32, #tpu.memory_space<hbm>> -> memref<128x64xf32, #tpu.memory_space<hbm>>
        %dma_wait3A_1243 = arith.constant 0 : i32
        %dma_wait3A_1244 = arith.constant 0 : i32
        %dma_wait3A_1245 = tpu.memref_slice %arg4[%dma_wait3A_1234, %dma_wait3A_1243, %dma_wait3A_1244] : memref<200x2048x128xf32, #tpu.memory_space<hbm>> -> memref<1x128x64xf32, #tpu.memory_space<hbm>>
        %dma_wait3A_1246 = tpu.memref_squeeze %dma_wait3A_1245 : memref<1x128x64xf32, #tpu.memory_space<hbm>> -> memref<128x64xf32, #tpu.memory_space<hbm>>
        %dma_wait3A_1247 = arith.constant 0 : i32
        %dma_wait3A_1248 = arith.constant 0 : i32
        %dma_wait3A_1249 = tpu.memref_slice %arg6[%dma_wait3A_1233, %dma_wait3A_1247, %dma_wait3A_1248] : memref<8x128x64xf32, #tpu.memory_space<vmem>> -> memref<1x128x64xf32, #tpu.memory_space<vmem>>
        %dma_wait3A_1250 = tpu.memref_squeeze %dma_wait3A_1249 : memref<1x128x64xf32, #tpu.memory_space<vmem>> -> memref<128x64xf32, #tpu.memory_space<vmem>>
        tpu.wait_dma2 semaphore(%arg8 : memref<!tpu.dma_semaphore, #tpu.memory_space<semaphore_mem>>) src(%dma_wait3A_1250 : memref<128x64xf32, #tpu.memory_space<vmem>>) dst(%dma_wait3A_1246 : memref<128x64xf32, #tpu.memory_space<hbm>>)
        %dma_wait3A_1251 = arith.constant 0 : i32
        %dma_wait3A_1252 = arith.constant 0 : i32
        %dma_wait3A_1253 = arith.constant 0 : i32
        %dma_wait3A_1254 = arith.constant 0 : i32
        %dma_wait3A_1255 = tpu.memref_slice %arg6[%dma_wait3A_1251, %dma_wait3A_1253, %dma_wait3A_1254] : memref<8x128x64xf32, #tpu.memory_space<vmem>> -> memref<1x128x64xf32, #tpu.memory_space<vmem>>
        %dma_wait3A_1256 = tpu.memref_squeeze %dma_wait3A_1255 : memref<1x128x64xf32, #tpu.memory_space<vmem>> -> memref<128x64xf32, #tpu.memory_space<vmem>>
        %dma_wait3A_1257 = arith.constant 0 : i32
        %dma_wait3A_1258 = arith.constant 0 : i32
        %dma_wait3A_1259 = tpu.memref_slice %arg4[%dma_wait3A_1252, %dma_wait3A_1257, %dma_wait3A_1258] : memref<200x2048x128xf32, #tpu.memory_space<hbm>> -> memref<1x128x64xf32, #tpu.memory_space<hbm>>
        %dma_wait3A_1260 = tpu.memref_squeeze %dma_wait3A_1259 : memref<1x128x64xf32, #tpu.memory_space<hbm>> -> memref<128x64xf32, #tpu.memory_space<hbm>>
        %dma_wait3A_1261 = arith.constant 0 : i32
        %dma_wait3A_1262 = arith.constant 0 : i32
        %dma_wait3A_1263 = tpu.memref_slice %arg4[%dma_wait3A_1252, %dma_wait3A_1261, %dma_wait3A_1262] : memref<200x2048x128xf32, #tpu.memory_space<hbm>> -> memref<1x128x64xf32, #tpu.memory_space<hbm>>
        %dma_wait3A_1264 = tpu.memref_squeeze %dma_wait3A_1263 : memref<1x128x64xf32, #tpu.memory_space<hbm>> -> memref<128x64xf32, #tpu.memory_space<hbm>>
        %dma_wait3A_1265 = arith.constant 0 : i32
        %dma_wait3A_1266 = arith.constant 0 : i32
        %dma_wait3A_1267 = tpu.memref_slice %arg6[%dma_wait3A_1251, %dma_wait3A_1265, %dma_wait3A_1266] : memref<8x128x64xf32, #tpu.memory_space<vmem>> -> memref<1x128x64xf32, #tpu.memory_space<vmem>>
        %dma_wait3A_1268 = tpu.memref_squeeze %dma_wait3A_1267 : memref<1x128x64xf32, #tpu.memory_space<vmem>> -> memref<128x64xf32, #tpu.memory_space<vmem>>
        tpu.wait_dma2 semaphore(%arg8 : memref<!tpu.dma_semaphore, #tpu.memory_space<semaphore_mem>>) src(%dma_wait3A_1268 : memref<128x64xf32, #tpu.memory_space<vmem>>) dst(%dma_wait3A_1264 : memref<128x64xf32, #tpu.memory_space<hbm>>)
        %dma_wait3A_1269 = arith.constant 0 : i32
        %dma_wait3A_1270 = arith.constant 0 : i32
        %dma_wait3A_1271 = arith.constant 0 : i32
        %dma_wait3A_1272 = arith.constant 0 : i32
        %dma_wait3A_1273 = tpu.memref_slice %arg6[%dma_wait3A_1269, %dma_wait3A_1271, %dma_wait3A_1272] : memref<8x128x64xf32, #tpu.memory_space<vmem>> -> memref<1x128x64xf32, #tpu.memory_space<vmem>>
        %dma_wait3A_1274 = tpu.memref_squeeze %dma_wait3A_1273 : memref<1x128x64xf32, #tpu.memory_space<vmem>> -> memref<128x64xf32, #tpu.memory_space<vmem>>
        %dma_wait3A_1275 = arith.constant 0 : i32
        %dma_wait3A_1276 = arith.constant 0 : i32
        %dma_wait3A_1277 = tpu.memref_slice %arg4[%dma_wait3A_1270, %dma_wait3A_1275, %dma_wait3A_1276] : memref<200x2048x128xf32, #tpu.memory_space<hbm>> -> memref<1x128x64xf32, #tpu.memory_space<hbm>>
        %dma_wait3A_1278 = tpu.memref_squeeze %dma_wait3A_1277 : memref<1x128x64xf32, #tpu.memory_space<hbm>> -> memref<128x64xf32, #tpu.memory_space<hbm>>
        %dma_wait3A_1279 = arith.constant 0 : i32
        %dma_wait3A_1280 = arith.constant 0 : i32
        %dma_wait3A_1281 = tpu.memref_slice %arg4[%dma_wait3A_1270, %dma_wait3A_1279, %dma_wait3A_1280] : memref<200x2048x128xf32, #tpu.memory_space<hbm>> -> memref<1x128x64xf32, #tpu.memory_space<hbm>>
        %dma_wait3A_1282 = tpu.memref_squeeze %dma_wait3A_1281 : memref<1x128x64xf32, #tpu.memory_space<hbm>> -> memref<128x64xf32, #tpu.memory_space<hbm>>
        %dma_wait3A_1283 = arith.constant 0 : i32
        %dma_wait3A_1284 = arith.constant 0 : i32
        %dma_wait3A_1285 = tpu.memref_slice %arg6[%dma_wait3A_1269, %dma_wait3A_1283, %dma_wait3A_1284] : memref<8x128x64xf32, #tpu.memory_space<vmem>> -> memref<1x128x64xf32, #tpu.memory_space<vmem>>
        %dma_wait3A_1286 = tpu.memref_squeeze %dma_wait3A_1285 : memref<1x128x64xf32, #tpu.memory_space<vmem>> -> memref<128x64xf32, #tpu.memory_space<vmem>>
        tpu.wait_dma2 semaphore(%arg8 : memref<!tpu.dma_semaphore, #tpu.memory_space<semaphore_mem>>) src(%dma_wait3A_1286 : memref<128x64xf32, #tpu.memory_space<vmem>>) dst(%dma_wait3A_1282 : memref<128x64xf32, #tpu.memory_space<hbm>>)
        %dma_wait3A_1287 = arith.constant 0 : i32
        %dma_wait3A_1288 = arith.constant 0 : i32
        %dma_wait3A_1289 = arith.constant 0 : i32
        %dma_wait3A_1290 = arith.constant 0 : i32
        %dma_wait3A_1291 = tpu.memref_slice %arg6[%dma_wait3A_1287, %dma_wait3A_1289, %dma_wait3A_1290] : memref<8x128x64xf32, #tpu.memory_space<vmem>> -> memref<1x128x64xf32, #tpu.memory_space<vmem>>
        %dma_wait3A_1292 = tpu.memref_squeeze %dma_wait3A_1291 : memref<1x128x64xf32, #tpu.memory_space<vmem>> -> memref<128x64xf32, #tpu.memory_space<vmem>>
        %dma_wait3A_1293 = arith.constant 0 : i32
        %dma_wait3A_1294 = arith.constant 0 : i32
        %dma_wait3A_1295 = tpu.memref_slice %arg4[%dma_wait3A_1288, %dma_wait3A_1293, %dma_wait3A_1294] : memref<200x2048x128xf32, #tpu.memory_space<hbm>> -> memref<1x128x64xf32, #tpu.memory_space<hbm>>
        %dma_wait3A_1296 = tpu.memref_squeeze %dma_wait3A_1295 : memref<1x128x64xf32, #tpu.memory_space<hbm>> -> memref<128x64xf32, #tpu.memory_space<hbm>>
        %dma_wait3A_1297 = arith.constant 0 : i32
        %dma_wait3A_1298 = arith.constant 0 : i32
        %dma_wait3A_1299 = tpu.memref_slice %arg4[%dma_wait3A_1288, %dma_wait3A_1297, %dma_wait3A_1298] : memref<200x2048x128xf32, #tpu.memory_space<hbm>> -> memref<1x128x64xf32, #tpu.memory_space<hbm>>
        %dma_wait3A_1300 = tpu.memref_squeeze %dma_wait3A_1299 : memref<1x128x64xf32, #tpu.memory_space<hbm>> -> memref<128x64xf32, #tpu.memory_space<hbm>>
        %dma_wait3A_1301 = arith.constant 0 : i32
        %dma_wait3A_1302 = arith.constant 0 : i32
        %dma_wait3A_1303 = tpu.memref_slice %arg6[%dma_wait3A_1287, %dma_wait3A_1301, %dma_wait3A_1302] : memref<8x128x64xf32, #tpu.memory_space<vmem>> -> memref<1x128x64xf32, #tpu.memory_space<vmem>>
        %dma_wait3A_1304 = tpu.memref_squeeze %dma_wait3A_1303 : memref<1x128x64xf32, #tpu.memory_space<vmem>> -> memref<128x64xf32, #tpu.memory_space<vmem>>
        tpu.wait_dma2 semaphore(%arg8 : memref<!tpu.dma_semaphore, #tpu.memory_space<semaphore_mem>>) src(%dma_wait3A_1304 : memref<128x64xf32, #tpu.memory_space<vmem>>) dst(%dma_wait3A_1300 : memref<128x64xf32, #tpu.memory_space<hbm>>)
      } else {
      }
      %dma_wait3A_133 = arith.constant 0 : i32
      %dma_wait3A_134 = arith.constant 0 : i32
      %dma_wait3A_135 = arith.constant 0 : i32
      %dma_wait3A_136 = arith.constant 0 : i32
      %dma_wait3A_137 = tpu.memref_slice %arg6[%dma_wait3A_133, %dma_wait3A_135, %dma_wait3A_136] : memref<8x128x64xf32, #tpu.memory_space<vmem>> -> memref<1x128x64xf32, #tpu.memory_space<vmem>>
      %dma_wait3A_138 = tpu.memref_squeeze %dma_wait3A_137 : memref<1x128x64xf32, #tpu.memory_space<vmem>> -> memref<128x64xf32, #tpu.memory_space<vmem>>
      %dma_wait3A_139 = arith.constant 0 : i32
      %dma_wait3A_140 = arith.constant 0 : i32
      %dma_wait3A_141 = tpu.memref_slice %arg4[%dma_wait3A_134, %dma_wait3A_139, %dma_wait3A_140] : memref<200x2048x128xf32, #tpu.memory_space<hbm>> -> memref<1x128x64xf32, #tpu.memory_space<hbm>>
      %dma_wait3A_142 = tpu.memref_squeeze %dma_wait3A_141 : memref<1x128x64xf32, #tpu.memory_space<hbm>> -> memref<128x64xf32, #tpu.memory_space<hbm>>
      %dma_wait3A_143 = arith.constant 0 : i32
      %dma_wait3A_144 = arith.constant 0 : i32
      %dma_wait3A_145 = tpu.memref_slice %arg4[%dma_wait3A_134, %dma_wait3A_143, %dma_wait3A_144] : memref<200x2048x128xf32, #tpu.memory_space<hbm>> -> memref<1x128x64xf32, #tpu.memory_space<hbm>>
      %dma_wait3A_146 = tpu.memref_squeeze %dma_wait3A_145 : memref<1x128x64xf32, #tpu.memory_space<hbm>> -> memref<128x64xf32, #tpu.memory_space<hbm>>
      %dma_wait3A_147 = arith.constant 0 : i32
      %dma_wait3A_148 = arith.constant 0 : i32
      %dma_wait3A_149 = tpu.memref_slice %arg6[%dma_wait3A_133, %dma_wait3A_147, %dma_wait3A_148] : memref<8x128x64xf32, #tpu.memory_space<vmem>> -> memref<1x128x64xf32, #tpu.memory_space<vmem>>
      %dma_wait3A_150 = tpu.memref_squeeze %dma_wait3A_149 : memref<1x128x64xf32, #tpu.memory_space<vmem>> -> memref<128x64xf32, #tpu.memory_space<vmem>>
      tpu.wait_dma2 semaphore(%arg7 : memref<!tpu.dma_semaphore, #tpu.memory_space<semaphore_mem>>) src(%dma_wait3A_150 : memref<128x64xf32, #tpu.memory_space<vmem>>) dst(%dma_wait3A_146 : memref<128x64xf32, #tpu.memory_space<hbm>>)
      %dma_wait3A_151 = arith.constant 0 : i32
      %dma_wait3A_152 = arith.constant 0 : i32
      %dma_wait3A_153 = arith.constant 0 : i32
      %dma_wait3A_154 = arith.constant 0 : i32
      %dma_wait3A_155 = tpu.memref_slice %arg6[%dma_wait3A_151, %dma_wait3A_153, %dma_wait3A_154] : memref<8x128x64xf32, #tpu.memory_space<vmem>> -> memref<1x128x64xf32, #tpu.memory_space<vmem>>
      %dma_wait3A_156 = tpu.memref_squeeze %dma_wait3A_155 : memref<1x128x64xf32, #tpu.memory_space<vmem>> -> memref<128x64xf32, #tpu.memory_space<vmem>>
      %dma_wait3A_157 = arith.constant 0 : i32
      %dma_wait3A_158 = arith.constant 0 : i32
      %dma_wait3A_159 = tpu.memref_slice %arg4[%dma_wait3A_152, %dma_wait3A_157, %dma_wait3A_158] : memref<200x2048x128xf32, #tpu.memory_space<hbm>> -> memref<1x128x64xf32, #tpu.memory_space<hbm>>
      %dma_wait3A_160 = tpu.memref_squeeze %dma_wait3A_159 : memref<1x128x64xf32, #tpu.memory_space<hbm>> -> memref<128x64xf32, #tpu.memory_space<hbm>>
      %dma_wait3A_161 = arith.constant 0 : i32
      %dma_wait3A_162 = arith.constant 0 : i32
      %dma_wait3A_163 = tpu.memref_slice %arg4[%dma_wait3A_152, %dma_wait3A_161, %dma_wait3A_162] : memref<200x2048x128xf32, #tpu.memory_space<hbm>> -> memref<1x128x64xf32, #tpu.memory_space<hbm>>
      %dma_wait3A_164 = tpu.memref_squeeze %dma_wait3A_163 : memref<1x128x64xf32, #tpu.memory_space<hbm>> -> memref<128x64xf32, #tpu.memory_space<hbm>>
      %dma_wait3A_165 = arith.constant 0 : i32
      %dma_wait3A_166 = arith.constant 0 : i32
      %dma_wait3A_167 = tpu.memref_slice %arg6[%dma_wait3A_151, %dma_wait3A_165, %dma_wait3A_166] : memref<8x128x64xf32, #tpu.memory_space<vmem>> -> memref<1x128x64xf32, #tpu.memory_space<vmem>>
      %dma_wait3A_168 = tpu.memref_squeeze %dma_wait3A_167 : memref<1x128x64xf32, #tpu.memory_space<vmem>> -> memref<128x64xf32, #tpu.memory_space<vmem>>
      tpu.wait_dma2 semaphore(%arg7 : memref<!tpu.dma_semaphore, #tpu.memory_space<semaphore_mem>>) src(%dma_wait3A_168 : memref<128x64xf32, #tpu.memory_space<vmem>>) dst(%dma_wait3A_164 : memref<128x64xf32, #tpu.memory_space<hbm>>)
      %dma_wait3A_169 = arith.constant 0 : i32
      %dma_wait3A_170 = arith.constant 0 : i32
      %dma_wait3A_171 = arith.constant 0 : i32
      %dma_wait3A_172 = arith.constant 0 : i32
      %dma_wait3A_173 = tpu.memref_slice %arg6[%dma_wait3A_169, %dma_wait3A_171, %dma_wait3A_172] : memref<8x128x64xf32, #tpu.memory_space<vmem>> -> memref<1x128x64xf32, #tpu.memory_space<vmem>>
      %dma_wait3A_174 = tpu.memref_squeeze %dma_wait3A_173 : memref<1x128x64xf32, #tpu.memory_space<vmem>> -> memref<128x64xf32, #tpu.memory_space<vmem>>
      %dma_wait3A_175 = arith.constant 0 : i32
      %dma_wait3A_176 = arith.constant 0 : i32
      %dma_wait3A_177 = tpu.memref_slice %arg4[%dma_wait3A_170, %dma_wait3A_175, %dma_wait3A_176] : memref<200x2048x128xf32, #tpu.memory_space<hbm>> -> memref<1x128x64xf32, #tpu.memory_space<hbm>>
      %dma_wait3A_178 = tpu.memref_squeeze %dma_wait3A_177 : memref<1x128x64xf32, #tpu.memory_space<hbm>> -> memref<128x64xf32, #tpu.memory_space<hbm>>
      %dma_wait3A_179 = arith.constant 0 : i32
      %dma_wait3A_180 = arith.constant 0 : i32
      %dma_wait3A_181 = tpu.memref_slice %arg4[%dma_wait3A_170, %dma_wait3A_179, %dma_wait3A_180] : memref<200x2048x128xf32, #tpu.memory_space<hbm>> -> memref<1x128x64xf32, #tpu.memory_space<hbm>>
      %dma_wait3A_182 = tpu.memref_squeeze %dma_wait3A_181 : memref<1x128x64xf32, #tpu.memory_space<hbm>> -> memref<128x64xf32, #tpu.memory_space<hbm>>
      %dma_wait3A_183 = arith.constant 0 : i32
      %dma_wait3A_184 = arith.constant 0 : i32
      %dma_wait3A_185 = tpu.memref_slice %arg6[%dma_wait3A_169, %dma_wait3A_183, %dma_wait3A_184] : memref<8x128x64xf32, #tpu.memory_space<vmem>> -> memref<1x128x64xf32, #tpu.memory_space<vmem>>
      %dma_wait3A_186 = tpu.memref_squeeze %dma_wait3A_185 : memref<1x128x64xf32, #tpu.memory_space<vmem>> -> memref<128x64xf32, #tpu.memory_space<vmem>>
      tpu.wait_dma2 semaphore(%arg7 : memref<!tpu.dma_semaphore, #tpu.memory_space<semaphore_mem>>) src(%dma_wait3A_186 : memref<128x64xf32, #tpu.memory_space<vmem>>) dst(%dma_wait3A_182 : memref<128x64xf32, #tpu.memory_space<hbm>>)
      %dma_wait3A_187 = arith.constant 0 : i32
      %dma_wait3A_188 = arith.constant 0 : i32
      %dma_wait3A_189 = arith.constant 0 : i32
      %dma_wait3A_190 = arith.constant 0 : i32
      %dma_wait3A_191 = tpu.memref_slice %arg6[%dma_wait3A_187, %dma_wait3A_189, %dma_wait3A_190] : memref<8x128x64xf32, #tpu.memory_space<vmem>> -> memref<1x128x64xf32, #tpu.memory_space<vmem>>
      %dma_wait3A_192 = tpu.memref_squeeze %dma_wait3A_191 : memref<1x128x64xf32, #tpu.memory_space<vmem>> -> memref<128x64xf32, #tpu.memory_space<vmem>>
      %dma_wait3A_193 = arith.constant 0 : i32
      %dma_wait3A_194 = arith.constant 0 : i32
      %dma_wait3A_195 = tpu.memref_slice %arg4[%dma_wait3A_188, %dma_wait3A_193, %dma_wait3A_194] : memref<200x2048x128xf32, #tpu.memory_space<hbm>> -> memref<1x128x64xf32, #tpu.memory_space<hbm>>
      %dma_wait3A_196 = tpu.memref_squeeze %dma_wait3A_195 : memref<1x128x64xf32, #tpu.memory_space<hbm>> -> memref<128x64xf32, #tpu.memory_space<hbm>>
      %dma_wait3A_197 = arith.constant 0 : i32
      %dma_wait3A_198 = arith.constant 0 : i32
      %dma_wait3A_199 = tpu.memref_slice %arg4[%dma_wait3A_188, %dma_wait3A_197, %dma_wait3A_198] : memref<200x2048x128xf32, #tpu.memory_space<hbm>> -> memref<1x128x64xf32, #tpu.memory_space<hbm>>
      %dma_wait3A_200 = tpu.memref_squeeze %dma_wait3A_199 : memref<1x128x64xf32, #tpu.memory_space<hbm>> -> memref<128x64xf32, #tpu.memory_space<hbm>>
      %dma_wait3A_201 = arith.constant 0 : i32
      %dma_wait3A_202 = arith.constant 0 : i32
      %dma_wait3A_203 = tpu.memref_slice %arg6[%dma_wait3A_187, %dma_wait3A_201, %dma_wait3A_202] : memref<8x128x64xf32, #tpu.memory_space<vmem>> -> memref<1x128x64xf32, #tpu.memory_space<vmem>>
      %dma_wait3A_204 = tpu.memref_squeeze %dma_wait3A_203 : memref<1x128x64xf32, #tpu.memory_space<vmem>> -> memref<128x64xf32, #tpu.memory_space<vmem>>
      tpu.wait_dma2 semaphore(%arg7 : memref<!tpu.dma_semaphore, #tpu.memory_space<semaphore_mem>>) src(%dma_wait3A_204 : memref<128x64xf32, #tpu.memory_space<vmem>>) dst(%dma_wait3A_200 : memref<128x64xf32, #tpu.memory_space<hbm>>)
      %add3A_205 = arith.constant 1 : i32
      %add3A_206 = arith.addi %mul3A_130, %add3A_205 : i32
      %mul3A_207 = arith.constant 4 : i32
      %mul3A_208 = arith.muli %add3A_206, %mul3A_207 : i32
      %add3A_209 = arith.constant 0 : i32
      %add3A_210 = arith.addi %mul3A_208, %add3A_209 : i32
      %dma_start3A_211 = arith.constant 4 : i32
      %dma_start3A_212 = arith.constant 0 : i32
      %dma_start3A_213 = arith.constant 0 : i32
      %dma_start3A_214 = tpu.memref_slice %arg6[%dma_start3A_211, %dma_start3A_212, %dma_start3A_213] : memref<8x128x64xf32, #tpu.memory_space<vmem>> -> memref<1x128x64xf32, #tpu.memory_space<vmem>>
      %dma_start3A_215 = tpu.memref_squeeze %dma_start3A_214 : memref<1x128x64xf32, #tpu.memory_space<vmem>> -> memref<128x64xf32, #tpu.memory_space<vmem>>
      %dma_start3A_216 = arith.constant 0 : i32
      %dma_start3A_217 = tpu.memref_slice %arg5[%add3A_210, %dma_start3A_216] : memref<200x128xi32, #tpu.memory_space<vmem>> -> memref<1x128xi32, #tpu.memory_space<vmem>>
      %dma_start3A_218 = tpu.memref_squeeze %dma_start3A_217 : memref<1x128xi32, #tpu.memory_space<vmem>> -> memref<128xi32, #tpu.memory_space<vmem>>
      %dma_start3A_219 = arith.constant 0 : i32
      %dma_start3A_220 = arith.constant 0 : i32
      %dma_start3A_221 = tpu.memref_slice %arg2[%dma_start3A_219, %dma_start3A_220] : memref<100000x64xf32, #tpu.memory_space<hbm>> -> memref<100000x64xf32, #tpu.memory_space<hbm>>
      tpu.enqueue_indirect_dma source(%dma_start3A_221 : memref<100000x64xf32, #tpu.memory_space<hbm>>) target(%dma_start3A_215 : memref<128x64xf32, #tpu.memory_space<vmem>>) offsets(%dma_start3A_218 : memref<128xi32, #tpu.memory_space<vmem>>) semaphore(%arg7 : memref<!tpu.dma_semaphore, #tpu.memory_space<semaphore_mem>>)
      %add3A_222 = arith.constant 1 : i32
      %add3A_223 = arith.addi %mul3A_130, %add3A_222 : i32
      %mul3A_224 = arith.constant 4 : i32
      %mul3A_225 = arith.muli %add3A_223, %mul3A_224 : i32
      %add3A_226 = arith.constant 1 : i32
      %add3A_227 = arith.addi %mul3A_225, %add3A_226 : i32
      %dma_start3A_228 = arith.constant 5 : i32
      %dma_start3A_229 = arith.constant 0 : i32
      %dma_start3A_230 = arith.constant 0 : i32
      %dma_start3A_231 = tpu.memref_slice %arg6[%dma_start3A_228, %dma_start3A_229, %dma_start3A_230] : memref<8x128x64xf32, #tpu.memory_space<vmem>> -> memref<1x128x64xf32, #tpu.memory_space<vmem>>
      %dma_start3A_232 = tpu.memref_squeeze %dma_start3A_231 : memref<1x128x64xf32, #tpu.memory_space<vmem>> -> memref<128x64xf32, #tpu.memory_space<vmem>>
      %dma_start3A_233 = arith.constant 0 : i32
      %dma_start3A_234 = tpu.memref_slice %arg5[%add3A_227, %dma_start3A_233] : memref<200x128xi32, #tpu.memory_space<vmem>> -> memref<1x128xi32, #tpu.memory_space<vmem>>
      %dma_start3A_235 = tpu.memref_squeeze %dma_start3A_234 : memref<1x128xi32, #tpu.memory_space<vmem>> -> memref<128xi32, #tpu.memory_space<vmem>>
      %dma_start3A_236 = arith.constant 0 : i32
      %dma_start3A_237 = arith.constant 0 : i32
      %dma_start3A_238 = tpu.memref_slice %arg2[%dma_start3A_236, %dma_start3A_237] : memref<100000x64xf32, #tpu.memory_space<hbm>> -> memref<100000x64xf32, #tpu.memory_space<hbm>>
      tpu.enqueue_indirect_dma source(%dma_start3A_238 : memref<100000x64xf32, #tpu.memory_space<hbm>>) target(%dma_start3A_232 : memref<128x64xf32, #tpu.memory_space<vmem>>) offsets(%dma_start3A_235 : memref<128xi32, #tpu.memory_space<vmem>>) semaphore(%arg7 : memref<!tpu.dma_semaphore, #tpu.memory_space<semaphore_mem>>)
      %add3A_239 = arith.constant 1 : i32
      %add3A_240 = arith.addi %mul3A_130, %add3A_239 : i32
      %mul3A_241 = arith.constant 4 : i32
      %mul3A_242 = arith.muli %add3A_240, %mul3A_241 : i32
      %add3A_243 = arith.constant 2 : i32
      %add3A_244 = arith.addi %mul3A_242, %add3A_243 : i32
      %dma_start3A_245 = arith.constant 6 : i32
      %dma_start3A_246 = arith.constant 0 : i32
      %dma_start3A_247 = arith.constant 0 : i32
      %dma_start3A_248 = tpu.memref_slice %arg6[%dma_start3A_245, %dma_start3A_246, %dma_start3A_247] : memref<8x128x64xf32, #tpu.memory_space<vmem>> -> memref<1x128x64xf32, #tpu.memory_space<vmem>>
      %dma_start3A_249 = tpu.memref_squeeze %dma_start3A_248 : memref<1x128x64xf32, #tpu.memory_space<vmem>> -> memref<128x64xf32, #tpu.memory_space<vmem>>
      %dma_start3A_250 = arith.constant 0 : i32
      %dma_start3A_251 = tpu.memref_slice %arg5[%add3A_244, %dma_start3A_250] : memref<200x128xi32, #tpu.memory_space<vmem>> -> memref<1x128xi32, #tpu.memory_space<vmem>>
      %dma_start3A_252 = tpu.memref_squeeze %dma_start3A_251 : memref<1x128xi32, #tpu.memory_space<vmem>> -> memref<128xi32, #tpu.memory_space<vmem>>
      %dma_start3A_253 = arith.constant 0 : i32
      %dma_start3A_254 = arith.constant 0 : i32
      %dma_start3A_255 = tpu.memref_slice %arg2[%dma_start3A_253, %dma_start3A_254] : memref<100000x64xf32, #tpu.memory_space<hbm>> -> memref<100000x64xf32, #tpu.memory_space<hbm>>
      tpu.enqueue_indirect_dma source(%dma_start3A_255 : memref<100000x64xf32, #tpu.memory_space<hbm>>) target(%dma_start3A_249 : memref<128x64xf32, #tpu.memory_space<vmem>>) offsets(%dma_start3A_252 : memref<128xi32, #tpu.memory_space<vmem>>) semaphore(%arg7 : memref<!tpu.dma_semaphore, #tpu.memory_space<semaphore_mem>>)
      %add3A_256 = arith.constant 1 : i32
      %add3A_257 = arith.addi %mul3A_130, %add3A_256 : i32
      %mul3A_258 = arith.constant 4 : i32
      %mul3A_259 = arith.muli %add3A_257, %mul3A_258 : i32
      %add3A_260 = arith.constant 3 : i32
      %add3A_261 = arith.addi %mul3A_259, %add3A_260 : i32
      %dma_start3A_262 = arith.constant 7 : i32
      %dma_start3A_263 = arith.constant 0 : i32
      %dma_start3A_264 = arith.constant 0 : i32
      %dma_start3A_265 = tpu.memref_slice %arg6[%dma_start3A_262, %dma_start3A_263, %dma_start3A_264] : memref<8x128x64xf32, #tpu.memory_space<vmem>> -> memref<1x128x64xf32, #tpu.memory_space<vmem>>
      %dma_start3A_266 = tpu.memref_squeeze %dma_start3A_265 : memref<1x128x64xf32, #tpu.memory_space<vmem>> -> memref<128x64xf32, #tpu.memory_space<vmem>>
      %dma_start3A_267 = arith.constant 0 : i32
      %dma_start3A_268 = tpu.memref_slice %arg5[%add3A_261, %dma_start3A_267] : memref<200x128xi32, #tpu.memory_space<vmem>> -> memref<1x128xi32, #tpu.memory_space<vmem>>
      %dma_start3A_269 = tpu.memref_squeeze %dma_start3A_268 : memref<1x128xi32, #tpu.memory_space<vmem>> -> memref<128xi32, #tpu.memory_space<vmem>>
      %dma_start3A_270 = arith.constant 0 : i32
      %dma_start3A_271 = arith.constant 0 : i32
      %dma_start3A_272 = tpu.memref_slice %arg2[%dma_start3A_270, %dma_start3A_271] : memref<100000x64xf32, #tpu.memory_space<hbm>> -> memref<100000x64xf32, #tpu.memory_space<hbm>>
      tpu.enqueue_indirect_dma source(%dma_start3A_272 : memref<100000x64xf32, #tpu.memory_space<hbm>>) target(%dma_start3A_266 : memref<128x64xf32, #tpu.memory_space<vmem>>) offsets(%dma_start3A_269 : memref<128xi32, #tpu.memory_space<vmem>>) semaphore(%arg7 : memref<!tpu.dma_semaphore, #tpu.memory_space<semaphore_mem>>)
      %mul3A_273 = arith.constant 4 : i32
      %mul3A_274 = arith.muli %mul3A_130, %mul3A_273 : i32
      %add3A_275 = arith.constant 0 : i32
      %add3A_276 = arith.addi %mul3A_274, %add3A_275 : i32
      %add3A_277 = arith.addi %mul3A_2, %add3A_276 : i32
      %jit3A = arith.constant 32 : i32
      %div3A = arith.divsi %add3A_277, %jit3A : i32
      %sign3A = arith.constant 0 : i32
      %sign3A_278 = arith.cmpi sgt, %add3A_277, %sign3A : i32
      %sign3A_279 = arith.extui %sign3A_278 : i1 to i32
      %sign3A_280 = arith.constant 0 : i32
      %sign3A_281 = arith.cmpi slt, %add3A_277, %sign3A_280 : i32
      %sign3A_282 = arith.extui %sign3A_281 : i1 to i32
      %sign3A_283 = arith.subi %sign3A_279, %sign3A_282 : i32
      %sign3A_284 = arith.constant 0 : i32
      %sign3A_285 = arith.cmpi sgt, %jit3A, %sign3A_284 : i32
      %sign3A_286 = arith.extui %sign3A_285 : i1 to i32
      %sign3A_287 = arith.constant 0 : i32
      %sign3A_288 = arith.cmpi slt, %jit3A, %sign3A_287 : i32
      %sign3A_289 = arith.extui %sign3A_288 : i1 to i32
      %sign3A_290 = arith.subi %sign3A_286, %sign3A_289 : i32
      %ne3A = arith.cmpi ne, %sign3A_283, %sign3A_290 : i32
      %rem3A = arith.remsi %add3A_277, %jit3A : i32
      %ne3A_291 = arith.constant 0 : i32
      %ne3A_292 = arith.cmpi ne, %rem3A, %ne3A_291 : i32
      %and3A = arith.andi %ne3A, %ne3A_292 : i1
      %sub3A = arith.constant 1 : i32
      %sub3A_293 = arith.subi %div3A, %sub3A : i32
      %select_n3A = arith.select %and3A, %sub3A_293, %div3A : i32
      %jit3A_294 = arith.constant 32 : i32
      %eq3A = arith.constant 0 : i32
      %eq3A_295 = arith.cmpi eq, %jit3A_294, %eq3A : i32
      %jit3A_296 = arith.constant 1 : i32
      %select_n3A_297 = arith.select %eq3A_295, %jit3A_296, %jit3A_294 : i32
      %rem3A_298 = arith.remsi %add3A_277, %select_n3A_297 : i32
      %ne3A_299 = arith.constant 0 : i32
      %ne3A_300 = arith.cmpi ne, %rem3A_298, %ne3A_299 : i32
      %lt3A = arith.constant 0 : i32
      %lt3A_301 = arith.cmpi slt, %rem3A_298, %lt3A : i32
      %lt3A_302 = arith.constant 0 : i32
      %lt3A_303 = arith.cmpi slt, %select_n3A_297, %lt3A_302 : i32
      %ne3A_304 = arith.xori %lt3A_301, %lt3A_303 : i1
      %and3A_305 = arith.andi %ne3A_304, %ne3A_300 : i1
      %add3A_306 = arith.addi %rem3A_298, %select_n3A_297 : i32
      %select_n3A_307 = arith.select %and3A_305, %add3A_306, %rem3A_298 : i32
      %jit3A_308 = arith.constant 16 : i32
      %div3A_309 = arith.divsi %select_n3A_307, %jit3A_308 : i32
      %sign3A_310 = arith.constant 0 : i32
      %sign3A_311 = arith.cmpi sgt, %select_n3A_307, %sign3A_310 : i32
      %sign3A_312 = arith.extui %sign3A_311 : i1 to i32
      %sign3A_313 = arith.constant 0 : i32
      %sign3A_314 = arith.cmpi slt, %select_n3A_307, %sign3A_313 : i32
      %sign3A_315 = arith.extui %sign3A_314 : i1 to i32
      %sign3A_316 = arith.subi %sign3A_312, %sign3A_315 : i32
      %sign3A_317 = arith.constant 0 : i32
      %sign3A_318 = arith.cmpi sgt, %jit3A_308, %sign3A_317 : i32
      %sign3A_319 = arith.extui %sign3A_318 : i1 to i32
      %sign3A_320 = arith.constant 0 : i32
      %sign3A_321 = arith.cmpi slt, %jit3A_308, %sign3A_320 : i32
      %sign3A_322 = arith.extui %sign3A_321 : i1 to i32
      %sign3A_323 = arith.subi %sign3A_319, %sign3A_322 : i32
      %ne3A_324 = arith.cmpi ne, %sign3A_316, %sign3A_323 : i32
      %rem3A_325 = arith.remsi %select_n3A_307, %jit3A_308 : i32
      %ne3A_326 = arith.constant 0 : i32
      %ne3A_327 = arith.cmpi ne, %rem3A_325, %ne3A_326 : i32
      %and3A_328 = arith.andi %ne3A_324, %ne3A_327 : i1
      %sub3A_329 = arith.constant 1 : i32
      %sub3A_330 = arith.subi %div3A_309, %sub3A_329 : i32
      %select_n3A_331 = arith.select %and3A_328, %sub3A_330, %div3A_309 : i32
      %jit3A_332 = arith.constant 16 : i32
      %eq3A_333 = arith.constant 0 : i32
      %eq3A_334 = arith.cmpi eq, %jit3A_332, %eq3A_333 : i32
      %jit3A_335 = arith.constant 1 : i32
      %select_n3A_336 = arith.select %eq3A_334, %jit3A_335, %jit3A_332 : i32
      %rem3A_337 = arith.remsi %select_n3A_307, %select_n3A_336 : i32
      %ne3A_338 = arith.constant 0 : i32
      %ne3A_339 = arith.cmpi ne, %rem3A_337, %ne3A_338 : i32
      %lt3A_340 = arith.constant 0 : i32
      %lt3A_341 = arith.cmpi slt, %rem3A_337, %lt3A_340 : i32
      %lt3A_342 = arith.constant 0 : i32
      %lt3A_343 = arith.cmpi slt, %select_n3A_336, %lt3A_342 : i32
      %ne3A_344 = arith.xori %lt3A_341, %lt3A_343 : i1
      %and3A_345 = arith.andi %ne3A_344, %ne3A_339 : i1
      %add3A_346 = arith.addi %rem3A_337, %select_n3A_336 : i32
      %select_n3A_347 = arith.select %and3A_345, %add3A_346, %rem3A_337 : i32
      %mul3A_348 = arith.constant 128 : i32
      %mul3A_349 = arith.muli %select_n3A_347, %mul3A_348 : i32
      %mul3A_350 = arith.constant 64 : i32
      %mul3A_351 = arith.muli %select_n3A_331, %mul3A_350 : i32
      %dma_start3A_352 = arith.constant 0 : i32
      %dma_start3A_353 = arith.constant 0 : i32
      %dma_start3A_354 = arith.constant 0 : i32
      %dma_start3A_355 = tpu.memref_slice %arg6[%dma_start3A_352, %dma_start3A_353, %dma_start3A_354] : memref<8x128x64xf32, #tpu.memory_space<vmem>> -> memref<1x128x64xf32, #tpu.memory_space<vmem>>
      %dma_start3A_356 = tpu.memref_squeeze %dma_start3A_355 : memref<1x128x64xf32, #tpu.memory_space<vmem>> -> memref<128x64xf32, #tpu.memory_space<vmem>>
      %dma_start3A_357 = tpu.memref_slice %arg4[%select_n3A, %mul3A_349, %mul3A_351] : memref<200x2048x128xf32, #tpu.memory_space<hbm>> -> memref<1x128x64xf32, #tpu.memory_space<hbm>>
      %dma_start3A_358 = tpu.memref_squeeze %dma_start3A_357 : memref<1x128x64xf32, #tpu.memory_space<hbm>> -> memref<128x64xf32, #tpu.memory_space<hbm>>
      %dma_start3A_359 = tpu.memref_slice %arg4[%select_n3A, %mul3A_349, %mul3A_351] : memref<200x2048x128xf32, #tpu.memory_space<hbm>> -> memref<1x128x64xf32, #tpu.memory_space<hbm>>
      %dma_start3A_360 = tpu.memref_squeeze %dma_start3A_359 : memref<1x128x64xf32, #tpu.memory_space<hbm>> -> memref<128x64xf32, #tpu.memory_space<hbm>>
      %dma_start3A_361 = arith.constant 0 : i32
      %dma_start3A_362 = arith.constant 0 : i32
      %dma_start3A_363 = tpu.memref_slice %arg6[%dma_start3A_352, %dma_start3A_361, %dma_start3A_362] : memref<8x128x64xf32, #tpu.memory_space<vmem>> -> memref<1x128x64xf32, #tpu.memory_space<vmem>>
      %dma_start3A_364 = tpu.memref_squeeze %dma_start3A_363 : memref<1x128x64xf32, #tpu.memory_space<vmem>> -> memref<128x64xf32, #tpu.memory_space<vmem>>
      tpu.enqueue_dma source(%dma_start3A_364 : memref<128x64xf32, #tpu.memory_space<vmem>>) target(%dma_start3A_360 : memref<128x64xf32, #tpu.memory_space<hbm>>) target_semaphore(%arg8 : memref<!tpu.dma_semaphore, #tpu.memory_space<semaphore_mem>>)
      %mul3A_365 = arith.constant 4 : i32
      %mul3A_366 = arith.muli %mul3A_130, %mul3A_365 : i32
      %add3A_367 = arith.constant 1 : i32
      %add3A_368 = arith.addi %mul3A_366, %add3A_367 : i32
      %add3A_369 = arith.addi %mul3A_2, %add3A_368 : i32
      %jit3A_370 = arith.constant 32 : i32
      %div3A_371 = arith.divsi %add3A_369, %jit3A_370 : i32
      %sign3A_372 = arith.constant 0 : i32
      %sign3A_373 = arith.cmpi sgt, %add3A_369, %sign3A_372 : i32
      %sign3A_374 = arith.extui %sign3A_373 : i1 to i32
      %sign3A_375 = arith.constant 0 : i32
      %sign3A_376 = arith.cmpi slt, %add3A_369, %sign3A_375 : i32
      %sign3A_377 = arith.extui %sign3A_376 : i1 to i32
      %sign3A_378 = arith.subi %sign3A_374, %sign3A_377 : i32
      %sign3A_379 = arith.constant 0 : i32
      %sign3A_380 = arith.cmpi sgt, %jit3A_370, %sign3A_379 : i32
      %sign3A_381 = arith.extui %sign3A_380 : i1 to i32
      %sign3A_382 = arith.constant 0 : i32
      %sign3A_383 = arith.cmpi slt, %jit3A_370, %sign3A_382 : i32
      %sign3A_384 = arith.extui %sign3A_383 : i1 to i32
      %sign3A_385 = arith.subi %sign3A_381, %sign3A_384 : i32
      %ne3A_386 = arith.cmpi ne, %sign3A_378, %sign3A_385 : i32
      %rem3A_387 = arith.remsi %add3A_369, %jit3A_370 : i32
      %ne3A_388 = arith.constant 0 : i32
      %ne3A_389 = arith.cmpi ne, %rem3A_387, %ne3A_388 : i32
      %and3A_390 = arith.andi %ne3A_386, %ne3A_389 : i1
      %sub3A_391 = arith.constant 1 : i32
      %sub3A_392 = arith.subi %div3A_371, %sub3A_391 : i32
      %select_n3A_393 = arith.select %and3A_390, %sub3A_392, %div3A_371 : i32
      %jit3A_394 = arith.constant 32 : i32
      %eq3A_395 = arith.constant 0 : i32
      %eq3A_396 = arith.cmpi eq, %jit3A_394, %eq3A_395 : i32
      %jit3A_397 = arith.constant 1 : i32
      %select_n3A_398 = arith.select %eq3A_396, %jit3A_397, %jit3A_394 : i32
      %rem3A_399 = arith.remsi %add3A_369, %select_n3A_398 : i32
      %ne3A_400 = arith.constant 0 : i32
      %ne3A_401 = arith.cmpi ne, %rem3A_399, %ne3A_400 : i32
      %lt3A_402 = arith.constant 0 : i32
      %lt3A_403 = arith.cmpi slt, %rem3A_399, %lt3A_402 : i32
      %lt3A_404 = arith.constant 0 : i32
      %lt3A_405 = arith.cmpi slt, %select_n3A_398, %lt3A_404 : i32
      %ne3A_406 = arith.xori %lt3A_403, %lt3A_405 : i1
      %and3A_407 = arith.andi %ne3A_406, %ne3A_401 : i1
      %add3A_408 = arith.addi %rem3A_399, %select_n3A_398 : i32
      %select_n3A_409 = arith.select %and3A_407, %add3A_408, %rem3A_399 : i32
      %jit3A_410 = arith.constant 16 : i32
      %div3A_411 = arith.divsi %select_n3A_409, %jit3A_410 : i32
      %sign3A_412 = arith.constant 0 : i32
      %sign3A_413 = arith.cmpi sgt, %select_n3A_409, %sign3A_412 : i32
      %sign3A_414 = arith.extui %sign3A_413 : i1 to i32
      %sign3A_415 = arith.constant 0 : i32
      %sign3A_416 = arith.cmpi slt, %select_n3A_409, %sign3A_415 : i32
      %sign3A_417 = arith.extui %sign3A_416 : i1 to i32
      %sign3A_418 = arith.subi %sign3A_414, %sign3A_417 : i32
      %sign3A_419 = arith.constant 0 : i32
      %sign3A_420 = arith.cmpi sgt, %jit3A_410, %sign3A_419 : i32
      %sign3A_421 = arith.extui %sign3A_420 : i1 to i32
      %sign3A_422 = arith.constant 0 : i32
      %sign3A_423 = arith.cmpi slt, %jit3A_410, %sign3A_422 : i32
      %sign3A_424 = arith.extui %sign3A_423 : i1 to i32
      %sign3A_425 = arith.subi %sign3A_421, %sign3A_424 : i32
      %ne3A_426 = arith.cmpi ne, %sign3A_418, %sign3A_425 : i32
      %rem3A_427 = arith.remsi %select_n3A_409, %jit3A_410 : i32
      %ne3A_428 = arith.constant 0 : i32
      %ne3A_429 = arith.cmpi ne, %rem3A_427, %ne3A_428 : i32
      %and3A_430 = arith.andi %ne3A_426, %ne3A_429 : i1
      %sub3A_431 = arith.constant 1 : i32
      %sub3A_432 = arith.subi %div3A_411, %sub3A_431 : i32
      %select_n3A_433 = arith.select %and3A_430, %sub3A_432, %div3A_411 : i32
      %jit3A_434 = arith.constant 16 : i32
      %eq3A_435 = arith.constant 0 : i32
      %eq3A_436 = arith.cmpi eq, %jit3A_434, %eq3A_435 : i32
      %jit3A_437 = arith.constant 1 : i32
      %select_n3A_438 = arith.select %eq3A_436, %jit3A_437, %jit3A_434 : i32
      %rem3A_439 = arith.remsi %select_n3A_409, %select_n3A_438 : i32
      %ne3A_440 = arith.constant 0 : i32
      %ne3A_441 = arith.cmpi ne, %rem3A_439, %ne3A_440 : i32
      %lt3A_442 = arith.constant 0 : i32
      %lt3A_443 = arith.cmpi slt, %rem3A_439, %lt3A_442 : i32
      %lt3A_444 = arith.constant 0 : i32
      %lt3A_445 = arith.cmpi slt, %select_n3A_438, %lt3A_444 : i32
      %ne3A_446 = arith.xori %lt3A_443, %lt3A_445 : i1
      %and3A_447 = arith.andi %ne3A_446, %ne3A_441 : i1
      %add3A_448 = arith.addi %rem3A_439, %select_n3A_438 : i32
      %select_n3A_449 = arith.select %and3A_447, %add3A_448, %rem3A_439 : i32
      %mul3A_450 = arith.constant 128 : i32
      %mul3A_451 = arith.muli %select_n3A_449, %mul3A_450 : i32
      %mul3A_452 = arith.constant 64 : i32
      %mul3A_453 = arith.muli %select_n3A_433, %mul3A_452 : i32
      %dma_start3A_454 = arith.constant 1 : i32
      %dma_start3A_455 = arith.constant 0 : i32
      %dma_start3A_456 = arith.constant 0 : i32
      %dma_start3A_457 = tpu.memref_slice %arg6[%dma_start3A_454, %dma_start3A_455, %dma_start3A_456] : memref<8x128x64xf32, #tpu.memory_space<vmem>> -> memref<1x128x64xf32, #tpu.memory_space<vmem>>
      %dma_start3A_458 = tpu.memref_squeeze %dma_start3A_457 : memref<1x128x64xf32, #tpu.memory_space<vmem>> -> memref<128x64xf32, #tpu.memory_space<vmem>>
      %dma_start3A_459 = tpu.memref_slice %arg4[%select_n3A_393, %mul3A_451, %mul3A_453] : memref<200x2048x128xf32, #tpu.memory_space<hbm>> -> memref<1x128x64xf32, #tpu.memory_space<hbm>>
      %dma_start3A_460 = tpu.memref_squeeze %dma_start3A_459 : memref<1x128x64xf32, #tpu.memory_space<hbm>> -> memref<128x64xf32, #tpu.memory_space<hbm>>
      %dma_start3A_461 = tpu.memref_slice %arg4[%select_n3A_393, %mul3A_451, %mul3A_453] : memref<200x2048x128xf32, #tpu.memory_space<hbm>> -> memref<1x128x64xf32, #tpu.memory_space<hbm>>
      %dma_start3A_462 = tpu.memref_squeeze %dma_start3A_461 : memref<1x128x64xf32, #tpu.memory_space<hbm>> -> memref<128x64xf32, #tpu.memory_space<hbm>>
      %dma_start3A_463 = arith.constant 0 : i32
      %dma_start3A_464 = arith.constant 0 : i32
      %dma_start3A_465 = tpu.memref_slice %arg6[%dma_start3A_454, %dma_start3A_463, %dma_start3A_464] : memref<8x128x64xf32, #tpu.memory_space<vmem>> -> memref<1x128x64xf32, #tpu.memory_space<vmem>>
      %dma_start3A_466 = tpu.memref_squeeze %dma_start3A_465 : memref<1x128x64xf32, #tpu.memory_space<vmem>> -> memref<128x64xf32, #tpu.memory_space<vmem>>
      tpu.enqueue_dma source(%dma_start3A_466 : memref<128x64xf32, #tpu.memory_space<vmem>>) target(%dma_start3A_462 : memref<128x64xf32, #tpu.memory_space<hbm>>) target_semaphore(%arg8 : memref<!tpu.dma_semaphore, #tpu.memory_space<semaphore_mem>>)
      %mul3A_467 = arith.constant 4 : i32
      %mul3A_468 = arith.muli %mul3A_130, %mul3A_467 : i32
      %add3A_469 = arith.constant 2 : i32
      %add3A_470 = arith.addi %mul3A_468, %add3A_469 : i32
      %add3A_471 = arith.addi %mul3A_2, %add3A_470 : i32
      %jit3A_472 = arith.constant 32 : i32
      %div3A_473 = arith.divsi %add3A_471, %jit3A_472 : i32
      %sign3A_474 = arith.constant 0 : i32
      %sign3A_475 = arith.cmpi sgt, %add3A_471, %sign3A_474 : i32
      %sign3A_476 = arith.extui %sign3A_475 : i1 to i32
      %sign3A_477 = arith.constant 0 : i32
      %sign3A_478 = arith.cmpi slt, %add3A_471, %sign3A_477 : i32
      %sign3A_479 = arith.extui %sign3A_478 : i1 to i32
      %sign3A_480 = arith.subi %sign3A_476, %sign3A_479 : i32
      %sign3A_481 = arith.constant 0 : i32
      %sign3A_482 = arith.cmpi sgt, %jit3A_472, %sign3A_481 : i32
      %sign3A_483 = arith.extui %sign3A_482 : i1 to i32
      %sign3A_484 = arith.constant 0 : i32
      %sign3A_485 = arith.cmpi slt, %jit3A_472, %sign3A_484 : i32
      %sign3A_486 = arith.extui %sign3A_485 : i1 to i32
      %sign3A_487 = arith.subi %sign3A_483, %sign3A_486 : i32
      %ne3A_488 = arith.cmpi ne, %sign3A_480, %sign3A_487 : i32
      %rem3A_489 = arith.remsi %add3A_471, %jit3A_472 : i32
      %ne3A_490 = arith.constant 0 : i32
      %ne3A_491 = arith.cmpi ne, %rem3A_489, %ne3A_490 : i32
      %and3A_492 = arith.andi %ne3A_488, %ne3A_491 : i1
      %sub3A_493 = arith.constant 1 : i32
      %sub3A_494 = arith.subi %div3A_473, %sub3A_493 : i32
      %select_n3A_495 = arith.select %and3A_492, %sub3A_494, %div3A_473 : i32
      %jit3A_496 = arith.constant 32 : i32
      %eq3A_497 = arith.constant 0 : i32
      %eq3A_498 = arith.cmpi eq, %jit3A_496, %eq3A_497 : i32
      %jit3A_499 = arith.constant 1 : i32
      %select_n3A_500 = arith.select %eq3A_498, %jit3A_499, %jit3A_496 : i32
      %rem3A_501 = arith.remsi %add3A_471, %select_n3A_500 : i32
      %ne3A_502 = arith.constant 0 : i32
      %ne3A_503 = arith.cmpi ne, %rem3A_501, %ne3A_502 : i32
      %lt3A_504 = arith.constant 0 : i32
      %lt3A_505 = arith.cmpi slt, %rem3A_501, %lt3A_504 : i32
      %lt3A_506 = arith.constant 0 : i32
      %lt3A_507 = arith.cmpi slt, %select_n3A_500, %lt3A_506 : i32
      %ne3A_508 = arith.xori %lt3A_505, %lt3A_507 : i1
      %and3A_509 = arith.andi %ne3A_508, %ne3A_503 : i1
      %add3A_510 = arith.addi %rem3A_501, %select_n3A_500 : i32
      %select_n3A_511 = arith.select %and3A_509, %add3A_510, %rem3A_501 : i32
      %jit3A_512 = arith.constant 16 : i32
      %div3A_513 = arith.divsi %select_n3A_511, %jit3A_512 : i32
      %sign3A_514 = arith.constant 0 : i32
      %sign3A_515 = arith.cmpi sgt, %select_n3A_511, %sign3A_514 : i32
      %sign3A_516 = arith.extui %sign3A_515 : i1 to i32
      %sign3A_517 = arith.constant 0 : i32
      %sign3A_518 = arith.cmpi slt, %select_n3A_511, %sign3A_517 : i32
      %sign3A_519 = arith.extui %sign3A_518 : i1 to i32
      %sign3A_520 = arith.subi %sign3A_516, %sign3A_519 : i32
      %sign3A_521 = arith.constant 0 : i32
      %sign3A_522 = arith.cmpi sgt, %jit3A_512, %sign3A_521 : i32
      %sign3A_523 = arith.extui %sign3A_522 : i1 to i32
      %sign3A_524 = arith.constant 0 : i32
      %sign3A_525 = arith.cmpi slt, %jit3A_512, %sign3A_524 : i32
      %sign3A_526 = arith.extui %sign3A_525 : i1 to i32
      %sign3A_527 = arith.subi %sign3A_523, %sign3A_526 : i32
      %ne3A_528 = arith.cmpi ne, %sign3A_520, %sign3A_527 : i32
      %rem3A_529 = arith.remsi %select_n3A_511, %jit3A_512 : i32
      %ne3A_530 = arith.constant 0 : i32
      %ne3A_531 = arith.cmpi ne, %rem3A_529, %ne3A_530 : i32
      %and3A_532 = arith.andi %ne3A_528, %ne3A_531 : i1
      %sub3A_533 = arith.constant 1 : i32
      %sub3A_534 = arith.subi %div3A_513, %sub3A_533 : i32
      %select_n3A_535 = arith.select %and3A_532, %sub3A_534, %div3A_513 : i32
      %jit3A_536 = arith.constant 16 : i32
      %eq3A_537 = arith.constant 0 : i32
      %eq3A_538 = arith.cmpi eq, %jit3A_536, %eq3A_537 : i32
      %jit3A_539 = arith.constant 1 : i32
      %select_n3A_540 = arith.select %eq3A_538, %jit3A_539, %jit3A_536 : i32
      %rem3A_541 = arith.remsi %select_n3A_511, %select_n3A_540 : i32
      %ne3A_542 = arith.constant 0 : i32
      %ne3A_543 = arith.cmpi ne, %rem3A_541, %ne3A_542 : i32
      %lt3A_544 = arith.constant 0 : i32
      %lt3A_545 = arith.cmpi slt, %rem3A_541, %lt3A_544 : i32
      %lt3A_546 = arith.constant 0 : i32
      %lt3A_547 = arith.cmpi slt, %select_n3A_540, %lt3A_546 : i32
      %ne3A_548 = arith.xori %lt3A_545, %lt3A_547 : i1
      %and3A_549 = arith.andi %ne3A_548, %ne3A_543 : i1
      %add3A_550 = arith.addi %rem3A_541, %select_n3A_540 : i32
      %select_n3A_551 = arith.select %and3A_549, %add3A_550, %rem3A_541 : i32
      %mul3A_552 = arith.constant 128 : i32
      %mul3A_553 = arith.muli %select_n3A_551, %mul3A_552 : i32
      %mul3A_554 = arith.constant 64 : i32
      %mul3A_555 = arith.muli %select_n3A_535, %mul3A_554 : i32
      %dma_start3A_556 = arith.constant 2 : i32
      %dma_start3A_557 = arith.constant 0 : i32
      %dma_start3A_558 = arith.constant 0 : i32
      %dma_start3A_559 = tpu.memref_slice %arg6[%dma_start3A_556, %dma_start3A_557, %dma_start3A_558] : memref<8x128x64xf32, #tpu.memory_space<vmem>> -> memref<1x128x64xf32, #tpu.memory_space<vmem>>
      %dma_start3A_560 = tpu.memref_squeeze %dma_start3A_559 : memref<1x128x64xf32, #tpu.memory_space<vmem>> -> memref<128x64xf32, #tpu.memory_space<vmem>>
      %dma_start3A_561 = tpu.memref_slice %arg4[%select_n3A_495, %mul3A_553, %mul3A_555] : memref<200x2048x128xf32, #tpu.memory_space<hbm>> -> memref<1x128x64xf32, #tpu.memory_space<hbm>>
      %dma_start3A_562 = tpu.memref_squeeze %dma_start3A_561 : memref<1x128x64xf32, #tpu.memory_space<hbm>> -> memref<128x64xf32, #tpu.memory_space<hbm>>
      %dma_start3A_563 = tpu.memref_slice %arg4[%select_n3A_495, %mul3A_553, %mul3A_555] : memref<200x2048x128xf32, #tpu.memory_space<hbm>> -> memref<1x128x64xf32, #tpu.memory_space<hbm>>
      %dma_start3A_564 = tpu.memref_squeeze %dma_start3A_563 : memref<1x128x64xf32, #tpu.memory_space<hbm>> -> memref<128x64xf32, #tpu.memory_space<hbm>>
      %dma_start3A_565 = arith.constant 0 : i32
      %dma_start3A_566 = arith.constant 0 : i32
      %dma_start3A_567 = tpu.memref_slice %arg6[%dma_start3A_556, %dma_start3A_565, %dma_start3A_566] : memref<8x128x64xf32, #tpu.memory_space<vmem>> -> memref<1x128x64xf32, #tpu.memory_space<vmem>>
      %dma_start3A_568 = tpu.memref_squeeze %dma_start3A_567 : memref<1x128x64xf32, #tpu.memory_space<vmem>> -> memref<128x64xf32, #tpu.memory_space<vmem>>
      tpu.enqueue_dma source(%dma_start3A_568 : memref<128x64xf32, #tpu.memory_space<vmem>>) target(%dma_start3A_564 : memref<128x64xf32, #tpu.memory_space<hbm>>) target_semaphore(%arg8 : memref<!tpu.dma_semaphore, #tpu.memory_space<semaphore_mem>>)
      %mul3A_569 = arith.constant 4 : i32
      %mul3A_570 = arith.muli %mul3A_130, %mul3A_569 : i32
      %add3A_571 = arith.constant 3 : i32
      %add3A_572 = arith.addi %mul3A_570, %add3A_571 : i32
      %add3A_573 = arith.addi %mul3A_2, %add3A_572 : i32
      %jit3A_574 = arith.constant 32 : i32
      %div3A_575 = arith.divsi %add3A_573, %jit3A_574 : i32
      %sign3A_576 = arith.constant 0 : i32
      %sign3A_577 = arith.cmpi sgt, %add3A_573, %sign3A_576 : i32
      %sign3A_578 = arith.extui %sign3A_577 : i1 to i32
      %sign3A_579 = arith.constant 0 : i32
      %sign3A_580 = arith.cmpi slt, %add3A_573, %sign3A_579 : i32
      %sign3A_581 = arith.extui %sign3A_580 : i1 to i32
      %sign3A_582 = arith.subi %sign3A_578, %sign3A_581 : i32
      %sign3A_583 = arith.constant 0 : i32
      %sign3A_584 = arith.cmpi sgt, %jit3A_574, %sign3A_583 : i32
      %sign3A_585 = arith.extui %sign3A_584 : i1 to i32
      %sign3A_586 = arith.constant 0 : i32
      %sign3A_587 = arith.cmpi slt, %jit3A_574, %sign3A_586 : i32
      %sign3A_588 = arith.extui %sign3A_587 : i1 to i32
      %sign3A_589 = arith.subi %sign3A_585, %sign3A_588 : i32
      %ne3A_590 = arith.cmpi ne, %sign3A_582, %sign3A_589 : i32
      %rem3A_591 = arith.remsi %add3A_573, %jit3A_574 : i32
      %ne3A_592 = arith.constant 0 : i32
      %ne3A_593 = arith.cmpi ne, %rem3A_591, %ne3A_592 : i32
      %and3A_594 = arith.andi %ne3A_590, %ne3A_593 : i1
      %sub3A_595 = arith.constant 1 : i32
      %sub3A_596 = arith.subi %div3A_575, %sub3A_595 : i32
      %select_n3A_597 = arith.select %and3A_594, %sub3A_596, %div3A_575 : i32
      %jit3A_598 = arith.constant 32 : i32
      %eq3A_599 = arith.constant 0 : i32
      %eq3A_600 = arith.cmpi eq, %jit3A_598, %eq3A_599 : i32
      %jit3A_601 = arith.constant 1 : i32
      %select_n3A_602 = arith.select %eq3A_600, %jit3A_601, %jit3A_598 : i32
      %rem3A_603 = arith.remsi %add3A_573, %select_n3A_602 : i32
      %ne3A_604 = arith.constant 0 : i32
      %ne3A_605 = arith.cmpi ne, %rem3A_603, %ne3A_604 : i32
      %lt3A_606 = arith.constant 0 : i32
      %lt3A_607 = arith.cmpi slt, %rem3A_603, %lt3A_606 : i32
      %lt3A_608 = arith.constant 0 : i32
      %lt3A_609 = arith.cmpi slt, %select_n3A_602, %lt3A_608 : i32
      %ne3A_610 = arith.xori %lt3A_607, %lt3A_609 : i1
      %and3A_611 = arith.andi %ne3A_610, %ne3A_605 : i1
      %add3A_612 = arith.addi %rem3A_603, %select_n3A_602 : i32
      %select_n3A_613 = arith.select %and3A_611, %add3A_612, %rem3A_603 : i32
      %jit3A_614 = arith.constant 16 : i32
      %div3A_615 = arith.divsi %select_n3A_613, %jit3A_614 : i32
      %sign3A_616 = arith.constant 0 : i32
      %sign3A_617 = arith.cmpi sgt, %select_n3A_613, %sign3A_616 : i32
      %sign3A_618 = arith.extui %sign3A_617 : i1 to i32
      %sign3A_619 = arith.constant 0 : i32
      %sign3A_620 = arith.cmpi slt, %select_n3A_613, %sign3A_619 : i32
      %sign3A_621 = arith.extui %sign3A_620 : i1 to i32
      %sign3A_622 = arith.subi %sign3A_618, %sign3A_621 : i32
      %sign3A_623 = arith.constant 0 : i32
      %sign3A_624 = arith.cmpi sgt, %jit3A_614, %sign3A_623 : i32
      %sign3A_625 = arith.extui %sign3A_624 : i1 to i32
      %sign3A_626 = arith.constant 0 : i32
      %sign3A_627 = arith.cmpi slt, %jit3A_614, %sign3A_626 : i32
      %sign3A_628 = arith.extui %sign3A_627 : i1 to i32
      %sign3A_629 = arith.subi %sign3A_625, %sign3A_628 : i32
      %ne3A_630 = arith.cmpi ne, %sign3A_622, %sign3A_629 : i32
      %rem3A_631 = arith.remsi %select_n3A_613, %jit3A_614 : i32
      %ne3A_632 = arith.constant 0 : i32
      %ne3A_633 = arith.cmpi ne, %rem3A_631, %ne3A_632 : i32
      %and3A_634 = arith.andi %ne3A_630, %ne3A_633 : i1
      %sub3A_635 = arith.constant 1 : i32
      %sub3A_636 = arith.subi %div3A_615, %sub3A_635 : i32
      %select_n3A_637 = arith.select %and3A_634, %sub3A_636, %div3A_615 : i32
      %jit3A_638 = arith.constant 16 : i32
      %eq3A_639 = arith.constant 0 : i32
      %eq3A_640 = arith.cmpi eq, %jit3A_638, %eq3A_639 : i32
      %jit3A_641 = arith.constant 1 : i32
      %select_n3A_642 = arith.select %eq3A_640, %jit3A_641, %jit3A_638 : i32
      %rem3A_643 = arith.remsi %select_n3A_613, %select_n3A_642 : i32
      %ne3A_644 = arith.constant 0 : i32
      %ne3A_645 = arith.cmpi ne, %rem3A_643, %ne3A_644 : i32
      %lt3A_646 = arith.constant 0 : i32
      %lt3A_647 = arith.cmpi slt, %rem3A_643, %lt3A_646 : i32
      %lt3A_648 = arith.constant 0 : i32
      %lt3A_649 = arith.cmpi slt, %select_n3A_642, %lt3A_648 : i32
      %ne3A_650 = arith.xori %lt3A_647, %lt3A_649 : i1
      %and3A_651 = arith.andi %ne3A_650, %ne3A_645 : i1
      %add3A_652 = arith.addi %rem3A_643, %select_n3A_642 : i32
      %select_n3A_653 = arith.select %and3A_651, %add3A_652, %rem3A_643 : i32
      %mul3A_654 = arith.constant 128 : i32
      %mul3A_655 = arith.muli %select_n3A_653, %mul3A_654 : i32
      %mul3A_656 = arith.constant 64 : i32
      %mul3A_657 = arith.muli %select_n3A_637, %mul3A_656 : i32
      %dma_start3A_658 = arith.constant 3 : i32
      %dma_start3A_659 = arith.constant 0 : i32
      %dma_start3A_660 = arith.constant 0 : i32
      %dma_start3A_661 = tpu.memref_slice %arg6[%dma_start3A_658, %dma_start3A_659, %dma_start3A_660] : memref<8x128x64xf32, #tpu.memory_space<vmem>> -> memref<1x128x64xf32, #tpu.memory_space<vmem>>
      %dma_start3A_662 = tpu.memref_squeeze %dma_start3A_661 : memref<1x128x64xf32, #tpu.memory_space<vmem>> -> memref<128x64xf32, #tpu.memory_space<vmem>>
      %dma_start3A_663 = tpu.memref_slice %arg4[%select_n3A_597, %mul3A_655, %mul3A_657] : memref<200x2048x128xf32, #tpu.memory_space<hbm>> -> memref<1x128x64xf32, #tpu.memory_space<hbm>>
      %dma_start3A_664 = tpu.memref_squeeze %dma_start3A_663 : memref<1x128x64xf32, #tpu.memory_space<hbm>> -> memref<128x64xf32, #tpu.memory_space<hbm>>
      %dma_start3A_665 = tpu.memref_slice %arg4[%select_n3A_597, %mul3A_655, %mul3A_657] : memref<200x2048x128xf32, #tpu.memory_space<hbm>> -> memref<1x128x64xf32, #tpu.memory_space<hbm>>
      %dma_start3A_666 = tpu.memref_squeeze %dma_start3A_665 : memref<1x128x64xf32, #tpu.memory_space<hbm>> -> memref<128x64xf32, #tpu.memory_space<hbm>>
      %dma_start3A_667 = arith.constant 0 : i32
      %dma_start3A_668 = arith.constant 0 : i32
      %dma_start3A_669 = tpu.memref_slice %arg6[%dma_start3A_658, %dma_start3A_667, %dma_start3A_668] : memref<8x128x64xf32, #tpu.memory_space<vmem>> -> memref<1x128x64xf32, #tpu.memory_space<vmem>>
      %dma_start3A_670 = tpu.memref_squeeze %dma_start3A_669 : memref<1x128x64xf32, #tpu.memory_space<vmem>> -> memref<128x64xf32, #tpu.memory_space<vmem>>
      tpu.enqueue_dma source(%dma_start3A_670 : memref<128x64xf32, #tpu.memory_space<vmem>>) target(%dma_start3A_666 : memref<128x64xf32, #tpu.memory_space<hbm>>) target_semaphore(%arg8 : memref<!tpu.dma_semaphore, #tpu.memory_space<semaphore_mem>>)
      %mul3A_671 = arith.constant 2 : i32
      %mul3A_672 = arith.muli %mul3A_671, %scan3A_127 : i32
      %add3A_673 = arith.constant 1 : i32
      %add3A_674 = arith.addi %mul3A_672, %add3A_673 : i32
      %dma_wait3A_675 = arith.constant 0 : i32
      %dma_wait3A_676 = arith.constant 0 : i32
      %dma_wait3A_677 = arith.constant 0 : i32
      %dma_wait3A_678 = arith.constant 0 : i32
      %dma_wait3A_679 = tpu.memref_slice %arg6[%dma_wait3A_675, %dma_wait3A_677, %dma_wait3A_678] : memref<8x128x64xf32, #tpu.memory_space<vmem>> -> memref<1x128x64xf32, #tpu.memory_space<vmem>>
      %dma_wait3A_680 = tpu.memref_squeeze %dma_wait3A_679 : memref<1x128x64xf32, #tpu.memory_space<vmem>> -> memref<128x64xf32, #tpu.memory_space<vmem>>
      %dma_wait3A_681 = arith.constant 0 : i32
      %dma_wait3A_682 = arith.constant 0 : i32
      %dma_wait3A_683 = tpu.memref_slice %arg4[%dma_wait3A_676, %dma_wait3A_681, %dma_wait3A_682] : memref<200x2048x128xf32, #tpu.memory_space<hbm>> -> memref<1x128x64xf32, #tpu.memory_space<hbm>>
      %dma_wait3A_684 = tpu.memref_squeeze %dma_wait3A_683 : memref<1x128x64xf32, #tpu.memory_space<hbm>> -> memref<128x64xf32, #tpu.memory_space<hbm>>
      %dma_wait3A_685 = arith.constant 0 : i32
      %dma_wait3A_686 = arith.constant 0 : i32
      %dma_wait3A_687 = tpu.memref_slice %arg4[%dma_wait3A_676, %dma_wait3A_685, %dma_wait3A_686] : memref<200x2048x128xf32, #tpu.memory_space<hbm>> -> memref<1x128x64xf32, #tpu.memory_space<hbm>>
      %dma_wait3A_688 = tpu.memref_squeeze %dma_wait3A_687 : memref<1x128x64xf32, #tpu.memory_space<hbm>> -> memref<128x64xf32, #tpu.memory_space<hbm>>
      %dma_wait3A_689 = arith.constant 0 : i32
      %dma_wait3A_690 = arith.constant 0 : i32
      %dma_wait3A_691 = tpu.memref_slice %arg6[%dma_wait3A_675, %dma_wait3A_689, %dma_wait3A_690] : memref<8x128x64xf32, #tpu.memory_space<vmem>> -> memref<1x128x64xf32, #tpu.memory_space<vmem>>
      %dma_wait3A_692 = tpu.memref_squeeze %dma_wait3A_691 : memref<1x128x64xf32, #tpu.memory_space<vmem>> -> memref<128x64xf32, #tpu.memory_space<vmem>>
      tpu.wait_dma2 semaphore(%arg8 : memref<!tpu.dma_semaphore, #tpu.memory_space<semaphore_mem>>) src(%dma_wait3A_692 : memref<128x64xf32, #tpu.memory_space<vmem>>) dst(%dma_wait3A_688 : memref<128x64xf32, #tpu.memory_space<hbm>>)
      %dma_wait3A_693 = arith.constant 0 : i32
      %dma_wait3A_694 = arith.constant 0 : i32
      %dma_wait3A_695 = arith.constant 0 : i32
      %dma_wait3A_696 = arith.constant 0 : i32
      %dma_wait3A_697 = tpu.memref_slice %arg6[%dma_wait3A_693, %dma_wait3A_695, %dma_wait3A_696] : memref<8x128x64xf32, #tpu.memory_space<vmem>> -> memref<1x128x64xf32, #tpu.memory_space<vmem>>
      %dma_wait3A_698 = tpu.memref_squeeze %dma_wait3A_697 : memref<1x128x64xf32, #tpu.memory_space<vmem>> -> memref<128x64xf32, #tpu.memory_space<vmem>>
      %dma_wait3A_699 = arith.constant 0 : i32
      %dma_wait3A_700 = arith.constant 0 : i32
      %dma_wait3A_701 = tpu.memref_slice %arg4[%dma_wait3A_694, %dma_wait3A_699, %dma_wait3A_700] : memref<200x2048x128xf32, #tpu.memory_space<hbm>> -> memref<1x128x64xf32, #tpu.memory_space<hbm>>
      %dma_wait3A_702 = tpu.memref_squeeze %dma_wait3A_701 : memref<1x128x64xf32, #tpu.memory_space<hbm>> -> memref<128x64xf32, #tpu.memory_space<hbm>>
      %dma_wait3A_703 = arith.constant 0 : i32
      %dma_wait3A_704 = arith.constant 0 : i32
      %dma_wait3A_705 = tpu.memref_slice %arg4[%dma_wait3A_694, %dma_wait3A_703, %dma_wait3A_704] : memref<200x2048x128xf32, #tpu.memory_space<hbm>> -> memref<1x128x64xf32, #tpu.memory_space<hbm>>
      %dma_wait3A_706 = tpu.memref_squeeze %dma_wait3A_705 : memref<1x128x64xf32, #tpu.memory_space<hbm>> -> memref<128x64xf32, #tpu.memory_space<hbm>>
      %dma_wait3A_707 = arith.constant 0 : i32
      %dma_wait3A_708 = arith.constant 0 : i32
      %dma_wait3A_709 = tpu.memref_slice %arg6[%dma_wait3A_693, %dma_wait3A_707, %dma_wait3A_708] : memref<8x128x64xf32, #tpu.memory_space<vmem>> -> memref<1x128x64xf32, #tpu.memory_space<vmem>>
      %dma_wait3A_710 = tpu.memref_squeeze %dma_wait3A_709 : memref<1x128x64xf32, #tpu.memory_space<vmem>> -> memref<128x64xf32, #tpu.memory_space<vmem>>
      tpu.wait_dma2 semaphore(%arg8 : memref<!tpu.dma_semaphore, #tpu.memory_space<semaphore_mem>>) src(%dma_wait3A_710 : memref<128x64xf32, #tpu.memory_space<vmem>>) dst(%dma_wait3A_706 : memref<128x64xf32, #tpu.memory_space<hbm>>)
      %dma_wait3A_711 = arith.constant 0 : i32
      %dma_wait3A_712 = arith.constant 0 : i32
      %dma_wait3A_713 = arith.constant 0 : i32
      %dma_wait3A_714 = arith.constant 0 : i32
      %dma_wait3A_715 = tpu.memref_slice %arg6[%dma_wait3A_711, %dma_wait3A_713, %dma_wait3A_714] : memref<8x128x64xf32, #tpu.memory_space<vmem>> -> memref<1x128x64xf32, #tpu.memory_space<vmem>>
      %dma_wait3A_716 = tpu.memref_squeeze %dma_wait3A_715 : memref<1x128x64xf32, #tpu.memory_space<vmem>> -> memref<128x64xf32, #tpu.memory_space<vmem>>
      %dma_wait3A_717 = arith.constant 0 : i32
      %dma_wait3A_718 = arith.constant 0 : i32
      %dma_wait3A_719 = tpu.memref_slice %arg4[%dma_wait3A_712, %dma_wait3A_717, %dma_wait3A_718] : memref<200x2048x128xf32, #tpu.memory_space<hbm>> -> memref<1x128x64xf32, #tpu.memory_space<hbm>>
      %dma_wait3A_720 = tpu.memref_squeeze %dma_wait3A_719 : memref<1x128x64xf32, #tpu.memory_space<hbm>> -> memref<128x64xf32, #tpu.memory_space<hbm>>
      %dma_wait3A_721 = arith.constant 0 : i32
      %dma_wait3A_722 = arith.constant 0 : i32
      %dma_wait3A_723 = tpu.memref_slice %arg4[%dma_wait3A_712, %dma_wait3A_721, %dma_wait3A_722] : memref<200x2048x128xf32, #tpu.memory_space<hbm>> -> memref<1x128x64xf32, #tpu.memory_space<hbm>>
      %dma_wait3A_724 = tpu.memref_squeeze %dma_wait3A_723 : memref<1x128x64xf32, #tpu.memory_space<hbm>> -> memref<128x64xf32, #tpu.memory_space<hbm>>
      %dma_wait3A_725 = arith.constant 0 : i32
      %dma_wait3A_726 = arith.constant 0 : i32
      %dma_wait3A_727 = tpu.memref_slice %arg6[%dma_wait3A_711, %dma_wait3A_725, %dma_wait3A_726] : memref<8x128x64xf32, #tpu.memory_space<vmem>> -> memref<1x128x64xf32, #tpu.memory_space<vmem>>
      %dma_wait3A_728 = tpu.memref_squeeze %dma_wait3A_727 : memref<1x128x64xf32, #tpu.memory_space<vmem>> -> memref<128x64xf32, #tpu.memory_space<vmem>>
      tpu.wait_dma2 semaphore(%arg8 : memref<!tpu.dma_semaphore, #tpu.memory_space<semaphore_mem>>) src(%dma_wait3A_728 : memref<128x64xf32, #tpu.memory_space<vmem>>) dst(%dma_wait3A_724 : memref<128x64xf32, #tpu.memory_space<hbm>>)
      %dma_wait3A_729 = arith.constant 0 : i32
      %dma_wait3A_730 = arith.constant 0 : i32
      %dma_wait3A_731 = arith.constant 0 : i32
      %dma_wait3A_732 = arith.constant 0 : i32
      %dma_wait3A_733 = tpu.memref_slice %arg6[%dma_wait3A_729, %dma_wait3A_731, %dma_wait3A_732] : memref<8x128x64xf32, #tpu.memory_space<vmem>> -> memref<1x128x64xf32, #tpu.memory_space<vmem>>
      %dma_wait3A_734 = tpu.memref_squeeze %dma_wait3A_733 : memref<1x128x64xf32, #tpu.memory_space<vmem>> -> memref<128x64xf32, #tpu.memory_space<vmem>>
      %dma_wait3A_735 = arith.constant 0 : i32
      %dma_wait3A_736 = arith.constant 0 : i32
      %dma_wait3A_737 = tpu.memref_slice %arg4[%dma_wait3A_730, %dma_wait3A_735, %dma_wait3A_736] : memref<200x2048x128xf32, #tpu.memory_space<hbm>> -> memref<1x128x64xf32, #tpu.memory_space<hbm>>
      %dma_wait3A_738 = tpu.memref_squeeze %dma_wait3A_737 : memref<1x128x64xf32, #tpu.memory_space<hbm>> -> memref<128x64xf32, #tpu.memory_space<hbm>>
      %dma_wait3A_739 = arith.constant 0 : i32
      %dma_wait3A_740 = arith.constant 0 : i32
      %dma_wait3A_741 = tpu.memref_slice %arg4[%dma_wait3A_730, %dma_wait3A_739, %dma_wait3A_740] : memref<200x2048x128xf32, #tpu.memory_space<hbm>> -> memref<1x128x64xf32, #tpu.memory_space<hbm>>
      %dma_wait3A_742 = tpu.memref_squeeze %dma_wait3A_741 : memref<1x128x64xf32, #tpu.memory_space<hbm>> -> memref<128x64xf32, #tpu.memory_space<hbm>>
      %dma_wait3A_743 = arith.constant 0 : i32
      %dma_wait3A_744 = arith.constant 0 : i32
      %dma_wait3A_745 = tpu.memref_slice %arg6[%dma_wait3A_729, %dma_wait3A_743, %dma_wait3A_744] : memref<8x128x64xf32, #tpu.memory_space<vmem>> -> memref<1x128x64xf32, #tpu.memory_space<vmem>>
      %dma_wait3A_746 = tpu.memref_squeeze %dma_wait3A_745 : memref<1x128x64xf32, #tpu.memory_space<vmem>> -> memref<128x64xf32, #tpu.memory_space<vmem>>
      tpu.wait_dma2 semaphore(%arg8 : memref<!tpu.dma_semaphore, #tpu.memory_space<semaphore_mem>>) src(%dma_wait3A_746 : memref<128x64xf32, #tpu.memory_space<vmem>>) dst(%dma_wait3A_742 : memref<128x64xf32, #tpu.memory_space<hbm>>)
      %dma_wait3A_747 = arith.constant 0 : i32
      %dma_wait3A_748 = arith.constant 0 : i32
      %dma_wait3A_749 = arith.constant 0 : i32
      %dma_wait3A_750 = arith.constant 0 : i32
      %dma_wait3A_751 = tpu.memref_slice %arg6[%dma_wait3A_747, %dma_wait3A_749, %dma_wait3A_750] : memref<8x128x64xf32, #tpu.memory_space<vmem>> -> memref<1x128x64xf32, #tpu.memory_space<vmem>>
      %dma_wait3A_752 = tpu.memref_squeeze %dma_wait3A_751 : memref<1x128x64xf32, #tpu.memory_space<vmem>> -> memref<128x64xf32, #tpu.memory_space<vmem>>
      %dma_wait3A_753 = arith.constant 0 : i32
      %dma_wait3A_754 = arith.constant 0 : i32
      %dma_wait3A_755 = tpu.memref_slice %arg4[%dma_wait3A_748, %dma_wait3A_753, %dma_wait3A_754] : memref<200x2048x128xf32, #tpu.memory_space<hbm>> -> memref<1x128x64xf32, #tpu.memory_space<hbm>>
      %dma_wait3A_756 = tpu.memref_squeeze %dma_wait3A_755 : memref<1x128x64xf32, #tpu.memory_space<hbm>> -> memref<128x64xf32, #tpu.memory_space<hbm>>
      %dma_wait3A_757 = arith.constant 0 : i32
      %dma_wait3A_758 = arith.constant 0 : i32
      %dma_wait3A_759 = tpu.memref_slice %arg4[%dma_wait3A_748, %dma_wait3A_757, %dma_wait3A_758] : memref<200x2048x128xf32, #tpu.memory_space<hbm>> -> memref<1x128x64xf32, #tpu.memory_space<hbm>>
      %dma_wait3A_760 = tpu.memref_squeeze %dma_wait3A_759 : memref<1x128x64xf32, #tpu.memory_space<hbm>> -> memref<128x64xf32, #tpu.memory_space<hbm>>
      %dma_wait3A_761 = arith.constant 0 : i32
      %dma_wait3A_762 = arith.constant 0 : i32
      %dma_wait3A_763 = tpu.memref_slice %arg6[%dma_wait3A_747, %dma_wait3A_761, %dma_wait3A_762] : memref<8x128x64xf32, #tpu.memory_space<vmem>> -> memref<1x128x64xf32, #tpu.memory_space<vmem>>
      %dma_wait3A_764 = tpu.memref_squeeze %dma_wait3A_763 : memref<1x128x64xf32, #tpu.memory_space<vmem>> -> memref<128x64xf32, #tpu.memory_space<vmem>>
      tpu.wait_dma2 semaphore(%arg7 : memref<!tpu.dma_semaphore, #tpu.memory_space<semaphore_mem>>) src(%dma_wait3A_764 : memref<128x64xf32, #tpu.memory_space<vmem>>) dst(%dma_wait3A_760 : memref<128x64xf32, #tpu.memory_space<hbm>>)
      %dma_wait3A_765 = arith.constant 0 : i32
      %dma_wait3A_766 = arith.constant 0 : i32
      %dma_wait3A_767 = arith.constant 0 : i32
      %dma_wait3A_768 = arith.constant 0 : i32
      %dma_wait3A_769 = tpu.memref_slice %arg6[%dma_wait3A_765, %dma_wait3A_767, %dma_wait3A_768] : memref<8x128x64xf32, #tpu.memory_space<vmem>> -> memref<1x128x64xf32, #tpu.memory_space<vmem>>
      %dma_wait3A_770 = tpu.memref_squeeze %dma_wait3A_769 : memref<1x128x64xf32, #tpu.memory_space<vmem>> -> memref<128x64xf32, #tpu.memory_space<vmem>>
      %dma_wait3A_771 = arith.constant 0 : i32
      %dma_wait3A_772 = arith.constant 0 : i32
      %dma_wait3A_773 = tpu.memref_slice %arg4[%dma_wait3A_766, %dma_wait3A_771, %dma_wait3A_772] : memref<200x2048x128xf32, #tpu.memory_space<hbm>> -> memref<1x128x64xf32, #tpu.memory_space<hbm>>
      %dma_wait3A_774 = tpu.memref_squeeze %dma_wait3A_773 : memref<1x128x64xf32, #tpu.memory_space<hbm>> -> memref<128x64xf32, #tpu.memory_space<hbm>>
      %dma_wait3A_775 = arith.constant 0 : i32
      %dma_wait3A_776 = arith.constant 0 : i32
      %dma_wait3A_777 = tpu.memref_slice %arg4[%dma_wait3A_766, %dma_wait3A_775, %dma_wait3A_776] : memref<200x2048x128xf32, #tpu.memory_space<hbm>> -> memref<1x128x64xf32, #tpu.memory_space<hbm>>
      %dma_wait3A_778 = tpu.memref_squeeze %dma_wait3A_777 : memref<1x128x64xf32, #tpu.memory_space<hbm>> -> memref<128x64xf32, #tpu.memory_space<hbm>>
      %dma_wait3A_779 = arith.constant 0 : i32
      %dma_wait3A_780 = arith.constant 0 : i32
      %dma_wait3A_781 = tpu.memref_slice %arg6[%dma_wait3A_765, %dma_wait3A_779, %dma_wait3A_780] : memref<8x128x64xf32, #tpu.memory_space<vmem>> -> memref<1x128x64xf32, #tpu.memory_space<vmem>>
      %dma_wait3A_782 = tpu.memref_squeeze %dma_wait3A_781 : memref<1x128x64xf32, #tpu.memory_space<vmem>> -> memref<128x64xf32, #tpu.memory_space<vmem>>
      tpu.wait_dma2 semaphore(%arg7 : memref<!tpu.dma_semaphore, #tpu.memory_space<semaphore_mem>>) src(%dma_wait3A_782 : memref<128x64xf32, #tpu.memory_space<vmem>>) dst(%dma_wait3A_778 : memref<128x64xf32, #tpu.memory_space<hbm>>)
      %dma_wait3A_783 = arith.constant 0 : i32
      %dma_wait3A_784 = arith.constant 0 : i32
      %dma_wait3A_785 = arith.constant 0 : i32
      %dma_wait3A_786 = arith.constant 0 : i32
      %dma_wait3A_787 = tpu.memref_slice %arg6[%dma_wait3A_783, %dma_wait3A_785, %dma_wait3A_786] : memref<8x128x64xf32, #tpu.memory_space<vmem>> -> memref<1x128x64xf32, #tpu.memory_space<vmem>>
      %dma_wait3A_788 = tpu.memref_squeeze %dma_wait3A_787 : memref<1x128x64xf32, #tpu.memory_space<vmem>> -> memref<128x64xf32, #tpu.memory_space<vmem>>
      %dma_wait3A_789 = arith.constant 0 : i32
      %dma_wait3A_790 = arith.constant 0 : i32
      %dma_wait3A_791 = tpu.memref_slice %arg4[%dma_wait3A_784, %dma_wait3A_789, %dma_wait3A_790] : memref<200x2048x128xf32, #tpu.memory_space<hbm>> -> memref<1x128x64xf32, #tpu.memory_space<hbm>>
      %dma_wait3A_792 = tpu.memref_squeeze %dma_wait3A_791 : memref<1x128x64xf32, #tpu.memory_space<hbm>> -> memref<128x64xf32, #tpu.memory_space<hbm>>
      %dma_wait3A_793 = arith.constant 0 : i32
      %dma_wait3A_794 = arith.constant 0 : i32
      %dma_wait3A_795 = tpu.memref_slice %arg4[%dma_wait3A_784, %dma_wait3A_793, %dma_wait3A_794] : memref<200x2048x128xf32, #tpu.memory_space<hbm>> -> memref<1x128x64xf32, #tpu.memory_space<hbm>>
      %dma_wait3A_796 = tpu.memref_squeeze %dma_wait3A_795 : memref<1x128x64xf32, #tpu.memory_space<hbm>> -> memref<128x64xf32, #tpu.memory_space<hbm>>
      %dma_wait3A_797 = arith.constant 0 : i32
      %dma_wait3A_798 = arith.constant 0 : i32
      %dma_wait3A_799 = tpu.memref_slice %arg6[%dma_wait3A_783, %dma_wait3A_797, %dma_wait3A_798] : memref<8x128x64xf32, #tpu.memory_space<vmem>> -> memref<1x128x64xf32, #tpu.memory_space<vmem>>
      %dma_wait3A_800 = tpu.memref_squeeze %dma_wait3A_799 : memref<1x128x64xf32, #tpu.memory_space<vmem>> -> memref<128x64xf32, #tpu.memory_space<vmem>>
      tpu.wait_dma2 semaphore(%arg7 : memref<!tpu.dma_semaphore, #tpu.memory_space<semaphore_mem>>) src(%dma_wait3A_800 : memref<128x64xf32, #tpu.memory_space<vmem>>) dst(%dma_wait3A_796 : memref<128x64xf32, #tpu.memory_space<hbm>>)
      %dma_wait3A_801 = arith.constant 0 : i32
      %dma_wait3A_802 = arith.constant 0 : i32
      %dma_wait3A_803 = arith.constant 0 : i32
      %dma_wait3A_804 = arith.constant 0 : i32
      %dma_wait3A_805 = tpu.memref_slice %arg6[%dma_wait3A_801, %dma_wait3A_803, %dma_wait3A_804] : memref<8x128x64xf32, #tpu.memory_space<vmem>> -> memref<1x128x64xf32, #tpu.memory_space<vmem>>
      %dma_wait3A_806 = tpu.memref_squeeze %dma_wait3A_805 : memref<1x128x64xf32, #tpu.memory_space<vmem>> -> memref<128x64xf32, #tpu.memory_space<vmem>>
      %dma_wait3A_807 = arith.constant 0 : i32
      %dma_wait3A_808 = arith.constant 0 : i32
      %dma_wait3A_809 = tpu.memref_slice %arg4[%dma_wait3A_802, %dma_wait3A_807, %dma_wait3A_808] : memref<200x2048x128xf32, #tpu.memory_space<hbm>> -> memref<1x128x64xf32, #tpu.memory_space<hbm>>
      %dma_wait3A_810 = tpu.memref_squeeze %dma_wait3A_809 : memref<1x128x64xf32, #tpu.memory_space<hbm>> -> memref<128x64xf32, #tpu.memory_space<hbm>>
      %dma_wait3A_811 = arith.constant 0 : i32
      %dma_wait3A_812 = arith.constant 0 : i32
      %dma_wait3A_813 = tpu.memref_slice %arg4[%dma_wait3A_802, %dma_wait3A_811, %dma_wait3A_812] : memref<200x2048x128xf32, #tpu.memory_space<hbm>> -> memref<1x128x64xf32, #tpu.memory_space<hbm>>
      %dma_wait3A_814 = tpu.memref_squeeze %dma_wait3A_813 : memref<1x128x64xf32, #tpu.memory_space<hbm>> -> memref<128x64xf32, #tpu.memory_space<hbm>>
      %dma_wait3A_815 = arith.constant 0 : i32
      %dma_wait3A_816 = arith.constant 0 : i32
      %dma_wait3A_817 = tpu.memref_slice %arg6[%dma_wait3A_801, %dma_wait3A_815, %dma_wait3A_816] : memref<8x128x64xf32, #tpu.memory_space<vmem>> -> memref<1x128x64xf32, #tpu.memory_space<vmem>>
      %dma_wait3A_818 = tpu.memref_squeeze %dma_wait3A_817 : memref<1x128x64xf32, #tpu.memory_space<vmem>> -> memref<128x64xf32, #tpu.memory_space<vmem>>
      tpu.wait_dma2 semaphore(%arg7 : memref<!tpu.dma_semaphore, #tpu.memory_space<semaphore_mem>>) src(%dma_wait3A_818 : memref<128x64xf32, #tpu.memory_space<vmem>>) dst(%dma_wait3A_814 : memref<128x64xf32, #tpu.memory_space<hbm>>)
      %lt3A_819 = arith.constant 24 : i32
      %lt3A_820 = arith.cmpi slt, %scan3A_127, %lt3A_819 : i32
      %convert_element_type3A_821 = arith.extui %lt3A_820 : i1 to i32
      %cond3A_822 = arith.constant 0 : i32
      %cond3A_823 = arith.cmpi ne, %convert_element_type3A_821, %cond3A_822 : i32
      scf.if %cond3A_823 {
        %add3A_1233 = arith.constant 1 : i32
        %add3A_1234 = arith.addi %add3A_674, %add3A_1233 : i32
        %mul3A_1235 = arith.constant 4 : i32
        %mul3A_1236 = arith.muli %add3A_1234, %mul3A_1235 : i32
        %add3A_1237 = arith.constant 0 : i32
        %add3A_1238 = arith.addi %mul3A_1236, %add3A_1237 : i32
        %dma_start3A_1239 = arith.constant 0 : i32
        %dma_start3A_1240 = arith.constant 0 : i32
        %dma_start3A_1241 = arith.constant 0 : i32
        %dma_start3A_1242 = tpu.memref_slice %arg6[%dma_start3A_1239, %dma_start3A_1240, %dma_start3A_1241] : memref<8x128x64xf32, #tpu.memory_space<vmem>> -> memref<1x128x64xf32, #tpu.memory_space<vmem>>
        %dma_start3A_1243 = tpu.memref_squeeze %dma_start3A_1242 : memref<1x128x64xf32, #tpu.memory_space<vmem>> -> memref<128x64xf32, #tpu.memory_space<vmem>>
        %dma_start3A_1244 = arith.constant 0 : i32
        %dma_start3A_1245 = tpu.memref_slice %arg5[%add3A_1238, %dma_start3A_1244] : memref<200x128xi32, #tpu.memory_space<vmem>> -> memref<1x128xi32, #tpu.memory_space<vmem>>
        %dma_start3A_1246 = tpu.memref_squeeze %dma_start3A_1245 : memref<1x128xi32, #tpu.memory_space<vmem>> -> memref<128xi32, #tpu.memory_space<vmem>>
        %dma_start3A_1247 = arith.constant 0 : i32
        %dma_start3A_1248 = arith.constant 0 : i32
        %dma_start3A_1249 = tpu.memref_slice %arg2[%dma_start3A_1247, %dma_start3A_1248] : memref<100000x64xf32, #tpu.memory_space<hbm>> -> memref<100000x64xf32, #tpu.memory_space<hbm>>
        tpu.enqueue_indirect_dma source(%dma_start3A_1249 : memref<100000x64xf32, #tpu.memory_space<hbm>>) target(%dma_start3A_1243 : memref<128x64xf32, #tpu.memory_space<vmem>>) offsets(%dma_start3A_1246 : memref<128xi32, #tpu.memory_space<vmem>>) semaphore(%arg7 : memref<!tpu.dma_semaphore, #tpu.memory_space<semaphore_mem>>)
        %add3A_1250 = arith.constant 1 : i32
        %add3A_1251 = arith.addi %add3A_674, %add3A_1250 : i32
        %mul3A_1252 = arith.constant 4 : i32
        %mul3A_1253 = arith.muli %add3A_1251, %mul3A_1252 : i32
        %add3A_1254 = arith.constant 1 : i32
        %add3A_1255 = arith.addi %mul3A_1253, %add3A_1254 : i32
        %dma_start3A_1256 = arith.constant 1 : i32
        %dma_start3A_1257 = arith.constant 0 : i32
        %dma_start3A_1258 = arith.constant 0 : i32
        %dma_start3A_1259 = tpu.memref_slice %arg6[%dma_start3A_1256, %dma_start3A_1257, %dma_start3A_1258] : memref<8x128x64xf32, #tpu.memory_space<vmem>> -> memref<1x128x64xf32, #tpu.memory_space<vmem>>
        %dma_start3A_1260 = tpu.memref_squeeze %dma_start3A_1259 : memref<1x128x64xf32, #tpu.memory_space<vmem>> -> memref<128x64xf32, #tpu.memory_space<vmem>>
        %dma_start3A_1261 = arith.constant 0 : i32
        %dma_start3A_1262 = tpu.memref_slice %arg5[%add3A_1255, %dma_start3A_1261] : memref<200x128xi32, #tpu.memory_space<vmem>> -> memref<1x128xi32, #tpu.memory_space<vmem>>
        %dma_start3A_1263 = tpu.memref_squeeze %dma_start3A_1262 : memref<1x128xi32, #tpu.memory_space<vmem>> -> memref<128xi32, #tpu.memory_space<vmem>>
        %dma_start3A_1264 = arith.constant 0 : i32
        %dma_start3A_1265 = arith.constant 0 : i32
        %dma_start3A_1266 = tpu.memref_slice %arg2[%dma_start3A_1264, %dma_start3A_1265] : memref<100000x64xf32, #tpu.memory_space<hbm>> -> memref<100000x64xf32, #tpu.memory_space<hbm>>
        tpu.enqueue_indirect_dma source(%dma_start3A_1266 : memref<100000x64xf32, #tpu.memory_space<hbm>>) target(%dma_start3A_1260 : memref<128x64xf32, #tpu.memory_space<vmem>>) offsets(%dma_start3A_1263 : memref<128xi32, #tpu.memory_space<vmem>>) semaphore(%arg7 : memref<!tpu.dma_semaphore, #tpu.memory_space<semaphore_mem>>)
        %add3A_1267 = arith.constant 1 : i32
        %add3A_1268 = arith.addi %add3A_674, %add3A_1267 : i32
        %mul3A_1269 = arith.constant 4 : i32
        %mul3A_1270 = arith.muli %add3A_1268, %mul3A_1269 : i32
        %add3A_1271 = arith.constant 2 : i32
        %add3A_1272 = arith.addi %mul3A_1270, %add3A_1271 : i32
        %dma_start3A_1273 = arith.constant 2 : i32
        %dma_start3A_1274 = arith.constant 0 : i32
        %dma_start3A_1275 = arith.constant 0 : i32
        %dma_start3A_1276 = tpu.memref_slice %arg6[%dma_start3A_1273, %dma_start3A_1274, %dma_start3A_1275] : memref<8x128x64xf32, #tpu.memory_space<vmem>> -> memref<1x128x64xf32, #tpu.memory_space<vmem>>
        %dma_start3A_1277 = tpu.memref_squeeze %dma_start3A_1276 : memref<1x128x64xf32, #tpu.memory_space<vmem>> -> memref<128x64xf32, #tpu.memory_space<vmem>>
        %dma_start3A_1278 = arith.constant 0 : i32
        %dma_start3A_1279 = tpu.memref_slice %arg5[%add3A_1272, %dma_start3A_1278] : memref<200x128xi32, #tpu.memory_space<vmem>> -> memref<1x128xi32, #tpu.memory_space<vmem>>
        %dma_start3A_1280 = tpu.memref_squeeze %dma_start3A_1279 : memref<1x128xi32, #tpu.memory_space<vmem>> -> memref<128xi32, #tpu.memory_space<vmem>>
        %dma_start3A_1281 = arith.constant 0 : i32
        %dma_start3A_1282 = arith.constant 0 : i32
        %dma_start3A_1283 = tpu.memref_slice %arg2[%dma_start3A_1281, %dma_start3A_1282] : memref<100000x64xf32, #tpu.memory_space<hbm>> -> memref<100000x64xf32, #tpu.memory_space<hbm>>
        tpu.enqueue_indirect_dma source(%dma_start3A_1283 : memref<100000x64xf32, #tpu.memory_space<hbm>>) target(%dma_start3A_1277 : memref<128x64xf32, #tpu.memory_space<vmem>>) offsets(%dma_start3A_1280 : memref<128xi32, #tpu.memory_space<vmem>>) semaphore(%arg7 : memref<!tpu.dma_semaphore, #tpu.memory_space<semaphore_mem>>)
        %add3A_1284 = arith.constant 1 : i32
        %add3A_1285 = arith.addi %add3A_674, %add3A_1284 : i32
        %mul3A_1286 = arith.constant 4 : i32
        %mul3A_1287 = arith.muli %add3A_1285, %mul3A_1286 : i32
        %add3A_1288 = arith.constant 3 : i32
        %add3A_1289 = arith.addi %mul3A_1287, %add3A_1288 : i32
        %dma_start3A_1290 = arith.constant 3 : i32
        %dma_start3A_1291 = arith.constant 0 : i32
        %dma_start3A_1292 = arith.constant 0 : i32
        %dma_start3A_1293 = tpu.memref_slice %arg6[%dma_start3A_1290, %dma_start3A_1291, %dma_start3A_1292] : memref<8x128x64xf32, #tpu.memory_space<vmem>> -> memref<1x128x64xf32, #tpu.memory_space<vmem>>
        %dma_start3A_1294 = tpu.memref_squeeze %dma_start3A_1293 : memref<1x128x64xf32, #tpu.memory_space<vmem>> -> memref<128x64xf32, #tpu.memory_space<vmem>>
        %dma_start3A_1295 = arith.constant 0 : i32
        %dma_start3A_1296 = tpu.memref_slice %arg5[%add3A_1289, %dma_start3A_1295] : memref<200x128xi32, #tpu.memory_space<vmem>> -> memref<1x128xi32, #tpu.memory_space<vmem>>
        %dma_start3A_1297 = tpu.memref_squeeze %dma_start3A_1296 : memref<1x128xi32, #tpu.memory_space<vmem>> -> memref<128xi32, #tpu.memory_space<vmem>>
        %dma_start3A_1298 = arith.constant 0 : i32
        %dma_start3A_1299 = arith.constant 0 : i32
        %dma_start3A_1300 = tpu.memref_slice %arg2[%dma_start3A_1298, %dma_start3A_1299] : memref<100000x64xf32, #tpu.memory_space<hbm>> -> memref<100000x64xf32, #tpu.memory_space<hbm>>
        tpu.enqueue_indirect_dma source(%dma_start3A_1300 : memref<100000x64xf32, #tpu.memory_space<hbm>>) target(%dma_start3A_1294 : memref<128x64xf32, #tpu.memory_space<vmem>>) offsets(%dma_start3A_1297 : memref<128xi32, #tpu.memory_space<vmem>>) semaphore(%arg7 : memref<!tpu.dma_semaphore, #tpu.memory_space<semaphore_mem>>)
      } else {
      }
      %mul3A_824 = arith.constant 4 : i32
      %mul3A_825 = arith.muli %add3A_674, %mul3A_824 : i32
      %add3A_826 = arith.constant 0 : i32
      %add3A_827 = arith.addi %mul3A_825, %add3A_826 : i32
      %add3A_828 = arith.addi %mul3A_2, %add3A_827 : i32
      %jit3A_829 = arith.constant 32 : i32
      %div3A_830 = arith.divsi %add3A_828, %jit3A_829 : i32
      %sign3A_831 = arith.constant 0 : i32
      %sign3A_832 = arith.cmpi sgt, %add3A_828, %sign3A_831 : i32
      %sign3A_833 = arith.extui %sign3A_832 : i1 to i32
      %sign3A_834 = arith.constant 0 : i32
      %sign3A_835 = arith.cmpi slt, %add3A_828, %sign3A_834 : i32
      %sign3A_836 = arith.extui %sign3A_835 : i1 to i32
      %sign3A_837 = arith.subi %sign3A_833, %sign3A_836 : i32
      %sign3A_838 = arith.constant 0 : i32
      %sign3A_839 = arith.cmpi sgt, %jit3A_829, %sign3A_838 : i32
      %sign3A_840 = arith.extui %sign3A_839 : i1 to i32
      %sign3A_841 = arith.constant 0 : i32
      %sign3A_842 = arith.cmpi slt, %jit3A_829, %sign3A_841 : i32
      %sign3A_843 = arith.extui %sign3A_842 : i1 to i32
      %sign3A_844 = arith.subi %sign3A_840, %sign3A_843 : i32
      %ne3A_845 = arith.cmpi ne, %sign3A_837, %sign3A_844 : i32
      %rem3A_846 = arith.remsi %add3A_828, %jit3A_829 : i32
      %ne3A_847 = arith.constant 0 : i32
      %ne3A_848 = arith.cmpi ne, %rem3A_846, %ne3A_847 : i32
      %and3A_849 = arith.andi %ne3A_845, %ne3A_848 : i1
      %sub3A_850 = arith.constant 1 : i32
      %sub3A_851 = arith.subi %div3A_830, %sub3A_850 : i32
      %select_n3A_852 = arith.select %and3A_849, %sub3A_851, %div3A_830 : i32
      %jit3A_853 = arith.constant 32 : i32
      %eq3A_854 = arith.constant 0 : i32
      %eq3A_855 = arith.cmpi eq, %jit3A_853, %eq3A_854 : i32
      %jit3A_856 = arith.constant 1 : i32
      %select_n3A_857 = arith.select %eq3A_855, %jit3A_856, %jit3A_853 : i32
      %rem3A_858 = arith.remsi %add3A_828, %select_n3A_857 : i32
      %ne3A_859 = arith.constant 0 : i32
      %ne3A_860 = arith.cmpi ne, %rem3A_858, %ne3A_859 : i32
      %lt3A_861 = arith.constant 0 : i32
      %lt3A_862 = arith.cmpi slt, %rem3A_858, %lt3A_861 : i32
      %lt3A_863 = arith.constant 0 : i32
      %lt3A_864 = arith.cmpi slt, %select_n3A_857, %lt3A_863 : i32
      %ne3A_865 = arith.xori %lt3A_862, %lt3A_864 : i1
      %and3A_866 = arith.andi %ne3A_865, %ne3A_860 : i1
      %add3A_867 = arith.addi %rem3A_858, %select_n3A_857 : i32
      %select_n3A_868 = arith.select %and3A_866, %add3A_867, %rem3A_858 : i32
      %jit3A_869 = arith.constant 16 : i32
      %div3A_870 = arith.divsi %select_n3A_868, %jit3A_869 : i32
      %sign3A_871 = arith.constant 0 : i32
      %sign3A_872 = arith.cmpi sgt, %select_n3A_868, %sign3A_871 : i32
      %sign3A_873 = arith.extui %sign3A_872 : i1 to i32
      %sign3A_874 = arith.constant 0 : i32
      %sign3A_875 = arith.cmpi slt, %select_n3A_868, %sign3A_874 : i32
      %sign3A_876 = arith.extui %sign3A_875 : i1 to i32
      %sign3A_877 = arith.subi %sign3A_873, %sign3A_876 : i32
      %sign3A_878 = arith.constant 0 : i32
      %sign3A_879 = arith.cmpi sgt, %jit3A_869, %sign3A_878 : i32
      %sign3A_880 = arith.extui %sign3A_879 : i1 to i32
      %sign3A_881 = arith.constant 0 : i32
      %sign3A_882 = arith.cmpi slt, %jit3A_869, %sign3A_881 : i32
      %sign3A_883 = arith.extui %sign3A_882 : i1 to i32
      %sign3A_884 = arith.subi %sign3A_880, %sign3A_883 : i32
      %ne3A_885 = arith.cmpi ne, %sign3A_877, %sign3A_884 : i32
      %rem3A_886 = arith.remsi %select_n3A_868, %jit3A_869 : i32
      %ne3A_887 = arith.constant 0 : i32
      %ne3A_888 = arith.cmpi ne, %rem3A_886, %ne3A_887 : i32
      %and3A_889 = arith.andi %ne3A_885, %ne3A_888 : i1
      %sub3A_890 = arith.constant 1 : i32
      %sub3A_891 = arith.subi %div3A_870, %sub3A_890 : i32
      %select_n3A_892 = arith.select %and3A_889, %sub3A_891, %div3A_870 : i32
      %jit3A_893 = arith.constant 16 : i32
      %eq3A_894 = arith.constant 0 : i32
      %eq3A_895 = arith.cmpi eq, %jit3A_893, %eq3A_894 : i32
      %jit3A_896 = arith.constant 1 : i32
      %select_n3A_897 = arith.select %eq3A_895, %jit3A_896, %jit3A_893 : i32
      %rem3A_898 = arith.remsi %select_n3A_868, %select_n3A_897 : i32
      %ne3A_899 = arith.constant 0 : i32
      %ne3A_900 = arith.cmpi ne, %rem3A_898, %ne3A_899 : i32
      %lt3A_901 = arith.constant 0 : i32
      %lt3A_902 = arith.cmpi slt, %rem3A_898, %lt3A_901 : i32
      %lt3A_903 = arith.constant 0 : i32
      %lt3A_904 = arith.cmpi slt, %select_n3A_897, %lt3A_903 : i32
      %ne3A_905 = arith.xori %lt3A_902, %lt3A_904 : i1
      %and3A_906 = arith.andi %ne3A_905, %ne3A_900 : i1
      %add3A_907 = arith.addi %rem3A_898, %select_n3A_897 : i32
      %select_n3A_908 = arith.select %and3A_906, %add3A_907, %rem3A_898 : i32
      %mul3A_909 = arith.constant 128 : i32
      %mul3A_910 = arith.muli %select_n3A_908, %mul3A_909 : i32
      %mul3A_911 = arith.constant 64 : i32
      %mul3A_912 = arith.muli %select_n3A_892, %mul3A_911 : i32
      %dma_start3A_913 = arith.constant 4 : i32
      %dma_start3A_914 = arith.constant 0 : i32
      %dma_start3A_915 = arith.constant 0 : i32
      %dma_start3A_916 = tpu.memref_slice %arg6[%dma_start3A_913, %dma_start3A_914, %dma_start3A_915] : memref<8x128x64xf32, #tpu.memory_space<vmem>> -> memref<1x128x64xf32, #tpu.memory_space<vmem>>
      %dma_start3A_917 = tpu.memref_squeeze %dma_start3A_916 : memref<1x128x64xf32, #tpu.memory_space<vmem>> -> memref<128x64xf32, #tpu.memory_space<vmem>>
      %dma_start3A_918 = tpu.memref_slice %arg4[%select_n3A_852, %mul3A_910, %mul3A_912] : memref<200x2048x128xf32, #tpu.memory_space<hbm>> -> memref<1x128x64xf32, #tpu.memory_space<hbm>>
      %dma_start3A_919 = tpu.memref_squeeze %dma_start3A_918 : memref<1x128x64xf32, #tpu.memory_space<hbm>> -> memref<128x64xf32, #tpu.memory_space<hbm>>
      %dma_start3A_920 = tpu.memref_slice %arg4[%select_n3A_852, %mul3A_910, %mul3A_912] : memref<200x2048x128xf32, #tpu.memory_space<hbm>> -> memref<1x128x64xf32, #tpu.memory_space<hbm>>
      %dma_start3A_921 = tpu.memref_squeeze %dma_start3A_920 : memref<1x128x64xf32, #tpu.memory_space<hbm>> -> memref<128x64xf32, #tpu.memory_space<hbm>>
      %dma_start3A_922 = arith.constant 0 : i32
      %dma_start3A_923 = arith.constant 0 : i32
      %dma_start3A_924 = tpu.memref_slice %arg6[%dma_start3A_913, %dma_start3A_922, %dma_start3A_923] : memref<8x128x64xf32, #tpu.memory_space<vmem>> -> memref<1x128x64xf32, #tpu.memory_space<vmem>>
      %dma_start3A_925 = tpu.memref_squeeze %dma_start3A_924 : memref<1x128x64xf32, #tpu.memory_space<vmem>> -> memref<128x64xf32, #tpu.memory_space<vmem>>
      tpu.enqueue_dma source(%dma_start3A_925 : memref<128x64xf32, #tpu.memory_space<vmem>>) target(%dma_start3A_921 : memref<128x64xf32, #tpu.memory_space<hbm>>) target_semaphore(%arg8 : memref<!tpu.dma_semaphore, #tpu.memory_space<semaphore_mem>>)
      %mul3A_926 = arith.constant 4 : i32
      %mul3A_927 = arith.muli %add3A_674, %mul3A_926 : i32
      %add3A_928 = arith.constant 1 : i32
      %add3A_929 = arith.addi %mul3A_927, %add3A_928 : i32
      %add3A_930 = arith.addi %mul3A_2, %add3A_929 : i32
      %jit3A_931 = arith.constant 32 : i32
      %div3A_932 = arith.divsi %add3A_930, %jit3A_931 : i32
      %sign3A_933 = arith.constant 0 : i32
      %sign3A_934 = arith.cmpi sgt, %add3A_930, %sign3A_933 : i32
      %sign3A_935 = arith.extui %sign3A_934 : i1 to i32
      %sign3A_936 = arith.constant 0 : i32
      %sign3A_937 = arith.cmpi slt, %add3A_930, %sign3A_936 : i32
      %sign3A_938 = arith.extui %sign3A_937 : i1 to i32
      %sign3A_939 = arith.subi %sign3A_935, %sign3A_938 : i32
      %sign3A_940 = arith.constant 0 : i32
      %sign3A_941 = arith.cmpi sgt, %jit3A_931, %sign3A_940 : i32
      %sign3A_942 = arith.extui %sign3A_941 : i1 to i32
      %sign3A_943 = arith.constant 0 : i32
      %sign3A_944 = arith.cmpi slt, %jit3A_931, %sign3A_943 : i32
      %sign3A_945 = arith.extui %sign3A_944 : i1 to i32
      %sign3A_946 = arith.subi %sign3A_942, %sign3A_945 : i32
      %ne3A_947 = arith.cmpi ne, %sign3A_939, %sign3A_946 : i32
      %rem3A_948 = arith.remsi %add3A_930, %jit3A_931 : i32
      %ne3A_949 = arith.constant 0 : i32
      %ne3A_950 = arith.cmpi ne, %rem3A_948, %ne3A_949 : i32
      %and3A_951 = arith.andi %ne3A_947, %ne3A_950 : i1
      %sub3A_952 = arith.constant 1 : i32
      %sub3A_953 = arith.subi %div3A_932, %sub3A_952 : i32
      %select_n3A_954 = arith.select %and3A_951, %sub3A_953, %div3A_932 : i32
      %jit3A_955 = arith.constant 32 : i32
      %eq3A_956 = arith.constant 0 : i32
      %eq3A_957 = arith.cmpi eq, %jit3A_955, %eq3A_956 : i32
      %jit3A_958 = arith.constant 1 : i32
      %select_n3A_959 = arith.select %eq3A_957, %jit3A_958, %jit3A_955 : i32
      %rem3A_960 = arith.remsi %add3A_930, %select_n3A_959 : i32
      %ne3A_961 = arith.constant 0 : i32
      %ne3A_962 = arith.cmpi ne, %rem3A_960, %ne3A_961 : i32
      %lt3A_963 = arith.constant 0 : i32
      %lt3A_964 = arith.cmpi slt, %rem3A_960, %lt3A_963 : i32
      %lt3A_965 = arith.constant 0 : i32
      %lt3A_966 = arith.cmpi slt, %select_n3A_959, %lt3A_965 : i32
      %ne3A_967 = arith.xori %lt3A_964, %lt3A_966 : i1
      %and3A_968 = arith.andi %ne3A_967, %ne3A_962 : i1
      %add3A_969 = arith.addi %rem3A_960, %select_n3A_959 : i32
      %select_n3A_970 = arith.select %and3A_968, %add3A_969, %rem3A_960 : i32
      %jit3A_971 = arith.constant 16 : i32
      %div3A_972 = arith.divsi %select_n3A_970, %jit3A_971 : i32
      %sign3A_973 = arith.constant 0 : i32
      %sign3A_974 = arith.cmpi sgt, %select_n3A_970, %sign3A_973 : i32
      %sign3A_975 = arith.extui %sign3A_974 : i1 to i32
      %sign3A_976 = arith.constant 0 : i32
      %sign3A_977 = arith.cmpi slt, %select_n3A_970, %sign3A_976 : i32
      %sign3A_978 = arith.extui %sign3A_977 : i1 to i32
      %sign3A_979 = arith.subi %sign3A_975, %sign3A_978 : i32
      %sign3A_980 = arith.constant 0 : i32
      %sign3A_981 = arith.cmpi sgt, %jit3A_971, %sign3A_980 : i32
      %sign3A_982 = arith.extui %sign3A_981 : i1 to i32
      %sign3A_983 = arith.constant 0 : i32
      %sign3A_984 = arith.cmpi slt, %jit3A_971, %sign3A_983 : i32
      %sign3A_985 = arith.extui %sign3A_984 : i1 to i32
      %sign3A_986 = arith.subi %sign3A_982, %sign3A_985 : i32
      %ne3A_987 = arith.cmpi ne, %sign3A_979, %sign3A_986 : i32
      %rem3A_988 = arith.remsi %select_n3A_970, %jit3A_971 : i32
      %ne3A_989 = arith.constant 0 : i32
      %ne3A_990 = arith.cmpi ne, %rem3A_988, %ne3A_989 : i32
      %and3A_991 = arith.andi %ne3A_987, %ne3A_990 : i1
      %sub3A_992 = arith.constant 1 : i32
      %sub3A_993 = arith.subi %div3A_972, %sub3A_992 : i32
      %select_n3A_994 = arith.select %and3A_991, %sub3A_993, %div3A_972 : i32
      %jit3A_995 = arith.constant 16 : i32
      %eq3A_996 = arith.constant 0 : i32
      %eq3A_997 = arith.cmpi eq, %jit3A_995, %eq3A_996 : i32
      %jit3A_998 = arith.constant 1 : i32
      %select_n3A_999 = arith.select %eq3A_997, %jit3A_998, %jit3A_995 : i32
      %rem3A_1000 = arith.remsi %select_n3A_970, %select_n3A_999 : i32
      %ne3A_1001 = arith.constant 0 : i32
      %ne3A_1002 = arith.cmpi ne, %rem3A_1000, %ne3A_1001 : i32
      %lt3A_1003 = arith.constant 0 : i32
      %lt3A_1004 = arith.cmpi slt, %rem3A_1000, %lt3A_1003 : i32
      %lt3A_1005 = arith.constant 0 : i32
      %lt3A_1006 = arith.cmpi slt, %select_n3A_999, %lt3A_1005 : i32
      %ne3A_1007 = arith.xori %lt3A_1004, %lt3A_1006 : i1
      %and3A_1008 = arith.andi %ne3A_1007, %ne3A_1002 : i1
      %add3A_1009 = arith.addi %rem3A_1000, %select_n3A_999 : i32
      %select_n3A_1010 = arith.select %and3A_1008, %add3A_1009, %rem3A_1000 : i32
      %mul3A_1011 = arith.constant 128 : i32
      %mul3A_1012 = arith.muli %select_n3A_1010, %mul3A_1011 : i32
      %mul3A_1013 = arith.constant 64 : i32
      %mul3A_1014 = arith.muli %select_n3A_994, %mul3A_1013 : i32
      %dma_start3A_1015 = arith.constant 5 : i32
      %dma_start3A_1016 = arith.constant 0 : i32
      %dma_start3A_1017 = arith.constant 0 : i32
      %dma_start3A_1018 = tpu.memref_slice %arg6[%dma_start3A_1015, %dma_start3A_1016, %dma_start3A_1017] : memref<8x128x64xf32, #tpu.memory_space<vmem>> -> memref<1x128x64xf32, #tpu.memory_space<vmem>>
      %dma_start3A_1019 = tpu.memref_squeeze %dma_start3A_1018 : memref<1x128x64xf32, #tpu.memory_space<vmem>> -> memref<128x64xf32, #tpu.memory_space<vmem>>
      %dma_start3A_1020 = tpu.memref_slice %arg4[%select_n3A_954, %mul3A_1012, %mul3A_1014] : memref<200x2048x128xf32, #tpu.memory_space<hbm>> -> memref<1x128x64xf32, #tpu.memory_space<hbm>>
      %dma_start3A_1021 = tpu.memref_squeeze %dma_start3A_1020 : memref<1x128x64xf32, #tpu.memory_space<hbm>> -> memref<128x64xf32, #tpu.memory_space<hbm>>
      %dma_start3A_1022 = tpu.memref_slice %arg4[%select_n3A_954, %mul3A_1012, %mul3A_1014] : memref<200x2048x128xf32, #tpu.memory_space<hbm>> -> memref<1x128x64xf32, #tpu.memory_space<hbm>>
      %dma_start3A_1023 = tpu.memref_squeeze %dma_start3A_1022 : memref<1x128x64xf32, #tpu.memory_space<hbm>> -> memref<128x64xf32, #tpu.memory_space<hbm>>
      %dma_start3A_1024 = arith.constant 0 : i32
      %dma_start3A_1025 = arith.constant 0 : i32
      %dma_start3A_1026 = tpu.memref_slice %arg6[%dma_start3A_1015, %dma_start3A_1024, %dma_start3A_1025] : memref<8x128x64xf32, #tpu.memory_space<vmem>> -> memref<1x128x64xf32, #tpu.memory_space<vmem>>
      %dma_start3A_1027 = tpu.memref_squeeze %dma_start3A_1026 : memref<1x128x64xf32, #tpu.memory_space<vmem>> -> memref<128x64xf32, #tpu.memory_space<vmem>>
      tpu.enqueue_dma source(%dma_start3A_1027 : memref<128x64xf32, #tpu.memory_space<vmem>>) target(%dma_start3A_1023 : memref<128x64xf32, #tpu.memory_space<hbm>>) target_semaphore(%arg8 : memref<!tpu.dma_semaphore, #tpu.memory_space<semaphore_mem>>)
      %mul3A_1028 = arith.constant 4 : i32
      %mul3A_1029 = arith.muli %add3A_674, %mul3A_1028 : i32
      %add3A_1030 = arith.constant 2 : i32
      %add3A_1031 = arith.addi %mul3A_1029, %add3A_1030 : i32
      %add3A_1032 = arith.addi %mul3A_2, %add3A_1031 : i32
      %jit3A_1033 = arith.constant 32 : i32
      %div3A_1034 = arith.divsi %add3A_1032, %jit3A_1033 : i32
      %sign3A_1035 = arith.constant 0 : i32
      %sign3A_1036 = arith.cmpi sgt, %add3A_1032, %sign3A_1035 : i32
      %sign3A_1037 = arith.extui %sign3A_1036 : i1 to i32
      %sign3A_1038 = arith.constant 0 : i32
      %sign3A_1039 = arith.cmpi slt, %add3A_1032, %sign3A_1038 : i32
      %sign3A_1040 = arith.extui %sign3A_1039 : i1 to i32
      %sign3A_1041 = arith.subi %sign3A_1037, %sign3A_1040 : i32
      %sign3A_1042 = arith.constant 0 : i32
      %sign3A_1043 = arith.cmpi sgt, %jit3A_1033, %sign3A_1042 : i32
      %sign3A_1044 = arith.extui %sign3A_1043 : i1 to i32
      %sign3A_1045 = arith.constant 0 : i32
      %sign3A_1046 = arith.cmpi slt, %jit3A_1033, %sign3A_1045 : i32
      %sign3A_1047 = arith.extui %sign3A_1046 : i1 to i32
      %sign3A_1048 = arith.subi %sign3A_1044, %sign3A_1047 : i32
      %ne3A_1049 = arith.cmpi ne, %sign3A_1041, %sign3A_1048 : i32
      %rem3A_1050 = arith.remsi %add3A_1032, %jit3A_1033 : i32
      %ne3A_1051 = arith.constant 0 : i32
      %ne3A_1052 = arith.cmpi ne, %rem3A_1050, %ne3A_1051 : i32
      %and3A_1053 = arith.andi %ne3A_1049, %ne3A_1052 : i1
      %sub3A_1054 = arith.constant 1 : i32
      %sub3A_1055 = arith.subi %div3A_1034, %sub3A_1054 : i32
      %select_n3A_1056 = arith.select %and3A_1053, %sub3A_1055, %div3A_1034 : i32
      %jit3A_1057 = arith.constant 32 : i32
      %eq3A_1058 = arith.constant 0 : i32
      %eq3A_1059 = arith.cmpi eq, %jit3A_1057, %eq3A_1058 : i32
      %jit3A_1060 = arith.constant 1 : i32
      %select_n3A_1061 = arith.select %eq3A_1059, %jit3A_1060, %jit3A_1057 : i32
      %rem3A_1062 = arith.remsi %add3A_1032, %select_n3A_1061 : i32
      %ne3A_1063 = arith.constant 0 : i32
      %ne3A_1064 = arith.cmpi ne, %rem3A_1062, %ne3A_1063 : i32
      %lt3A_1065 = arith.constant 0 : i32
      %lt3A_1066 = arith.cmpi slt, %rem3A_1062, %lt3A_1065 : i32
      %lt3A_1067 = arith.constant 0 : i32
      %lt3A_1068 = arith.cmpi slt, %select_n3A_1061, %lt3A_1067 : i32
      %ne3A_1069 = arith.xori %lt3A_1066, %lt3A_1068 : i1
      %and3A_1070 = arith.andi %ne3A_1069, %ne3A_1064 : i1
      %add3A_1071 = arith.addi %rem3A_1062, %select_n3A_1061 : i32
      %select_n3A_1072 = arith.select %and3A_1070, %add3A_1071, %rem3A_1062 : i32
      %jit3A_1073 = arith.constant 16 : i32
      %div3A_1074 = arith.divsi %select_n3A_1072, %jit3A_1073 : i32
      %sign3A_1075 = arith.constant 0 : i32
      %sign3A_1076 = arith.cmpi sgt, %select_n3A_1072, %sign3A_1075 : i32
      %sign3A_1077 = arith.extui %sign3A_1076 : i1 to i32
      %sign3A_1078 = arith.constant 0 : i32
      %sign3A_1079 = arith.cmpi slt, %select_n3A_1072, %sign3A_1078 : i32
      %sign3A_1080 = arith.extui %sign3A_1079 : i1 to i32
      %sign3A_1081 = arith.subi %sign3A_1077, %sign3A_1080 : i32
      %sign3A_1082 = arith.constant 0 : i32
      %sign3A_1083 = arith.cmpi sgt, %jit3A_1073, %sign3A_1082 : i32
      %sign3A_1084 = arith.extui %sign3A_1083 : i1 to i32
      %sign3A_1085 = arith.constant 0 : i32
      %sign3A_1086 = arith.cmpi slt, %jit3A_1073, %sign3A_1085 : i32
      %sign3A_1087 = arith.extui %sign3A_1086 : i1 to i32
      %sign3A_1088 = arith.subi %sign3A_1084, %sign3A_1087 : i32
      %ne3A_1089 = arith.cmpi ne, %sign3A_1081, %sign3A_1088 : i32
      %rem3A_1090 = arith.remsi %select_n3A_1072, %jit3A_1073 : i32
      %ne3A_1091 = arith.constant 0 : i32
      %ne3A_1092 = arith.cmpi ne, %rem3A_1090, %ne3A_1091 : i32
      %and3A_1093 = arith.andi %ne3A_1089, %ne3A_1092 : i1
      %sub3A_1094 = arith.constant 1 : i32
      %sub3A_1095 = arith.subi %div3A_1074, %sub3A_1094 : i32
      %select_n3A_1096 = arith.select %and3A_1093, %sub3A_1095, %div3A_1074 : i32
      %jit3A_1097 = arith.constant 16 : i32
      %eq3A_1098 = arith.constant 0 : i32
      %eq3A_1099 = arith.cmpi eq, %jit3A_1097, %eq3A_1098 : i32
      %jit3A_1100 = arith.constant 1 : i32
      %select_n3A_1101 = arith.select %eq3A_1099, %jit3A_1100, %jit3A_1097 : i32
      %rem3A_1102 = arith.remsi %select_n3A_1072, %select_n3A_1101 : i32
      %ne3A_1103 = arith.constant 0 : i32
      %ne3A_1104 = arith.cmpi ne, %rem3A_1102, %ne3A_1103 : i32
      %lt3A_1105 = arith.constant 0 : i32
      %lt3A_1106 = arith.cmpi slt, %rem3A_1102, %lt3A_1105 : i32
      %lt3A_1107 = arith.constant 0 : i32
      %lt3A_1108 = arith.cmpi slt, %select_n3A_1101, %lt3A_1107 : i32
      %ne3A_1109 = arith.xori %lt3A_1106, %lt3A_1108 : i1
      %and3A_1110 = arith.andi %ne3A_1109, %ne3A_1104 : i1
      %add3A_1111 = arith.addi %rem3A_1102, %select_n3A_1101 : i32
      %select_n3A_1112 = arith.select %and3A_1110, %add3A_1111, %rem3A_1102 : i32
      %mul3A_1113 = arith.constant 128 : i32
      %mul3A_1114 = arith.muli %select_n3A_1112, %mul3A_1113 : i32
      %mul3A_1115 = arith.constant 64 : i32
      %mul3A_1116 = arith.muli %select_n3A_1096, %mul3A_1115 : i32
      %dma_start3A_1117 = arith.constant 6 : i32
      %dma_start3A_1118 = arith.constant 0 : i32
      %dma_start3A_1119 = arith.constant 0 : i32
      %dma_start3A_1120 = tpu.memref_slice %arg6[%dma_start3A_1117, %dma_start3A_1118, %dma_start3A_1119] : memref<8x128x64xf32, #tpu.memory_space<vmem>> -> memref<1x128x64xf32, #tpu.memory_space<vmem>>
      %dma_start3A_1121 = tpu.memref_squeeze %dma_start3A_1120 : memref<1x128x64xf32, #tpu.memory_space<vmem>> -> memref<128x64xf32, #tpu.memory_space<vmem>>
      %dma_start3A_1122 = tpu.memref_slice %arg4[%select_n3A_1056, %mul3A_1114, %mul3A_1116] : memref<200x2048x128xf32, #tpu.memory_space<hbm>> -> memref<1x128x64xf32, #tpu.memory_space<hbm>>
      %dma_start3A_1123 = tpu.memref_squeeze %dma_start3A_1122 : memref<1x128x64xf32, #tpu.memory_space<hbm>> -> memref<128x64xf32, #tpu.memory_space<hbm>>
      %dma_start3A_1124 = tpu.memref_slice %arg4[%select_n3A_1056, %mul3A_1114, %mul3A_1116] : memref<200x2048x128xf32, #tpu.memory_space<hbm>> -> memref<1x128x64xf32, #tpu.memory_space<hbm>>
      %dma_start3A_1125 = tpu.memref_squeeze %dma_start3A_1124 : memref<1x128x64xf32, #tpu.memory_space<hbm>> -> memref<128x64xf32, #tpu.memory_space<hbm>>
      %dma_start3A_1126 = arith.constant 0 : i32
      %dma_start3A_1127 = arith.constant 0 : i32
      %dma_start3A_1128 = tpu.memref_slice %arg6[%dma_start3A_1117, %dma_start3A_1126, %dma_start3A_1127] : memref<8x128x64xf32, #tpu.memory_space<vmem>> -> memref<1x128x64xf32, #tpu.memory_space<vmem>>
      %dma_start3A_1129 = tpu.memref_squeeze %dma_start3A_1128 : memref<1x128x64xf32, #tpu.memory_space<vmem>> -> memref<128x64xf32, #tpu.memory_space<vmem>>
      tpu.enqueue_dma source(%dma_start3A_1129 : memref<128x64xf32, #tpu.memory_space<vmem>>) target(%dma_start3A_1125 : memref<128x64xf32, #tpu.memory_space<hbm>>) target_semaphore(%arg8 : memref<!tpu.dma_semaphore, #tpu.memory_space<semaphore_mem>>)
      %mul3A_1130 = arith.constant 4 : i32
      %mul3A_1131 = arith.muli %add3A_674, %mul3A_1130 : i32
      %add3A_1132 = arith.constant 3 : i32
      %add3A_1133 = arith.addi %mul3A_1131, %add3A_1132 : i32
      %add3A_1134 = arith.addi %mul3A_2, %add3A_1133 : i32
      %jit3A_1135 = arith.constant 32 : i32
      %div3A_1136 = arith.divsi %add3A_1134, %jit3A_1135 : i32
      %sign3A_1137 = arith.constant 0 : i32
      %sign3A_1138 = arith.cmpi sgt, %add3A_1134, %sign3A_1137 : i32
      %sign3A_1139 = arith.extui %sign3A_1138 : i1 to i32
      %sign3A_1140 = arith.constant 0 : i32
      %sign3A_1141 = arith.cmpi slt, %add3A_1134, %sign3A_1140 : i32
      %sign3A_1142 = arith.extui %sign3A_1141 : i1 to i32
      %sign3A_1143 = arith.subi %sign3A_1139, %sign3A_1142 : i32
      %sign3A_1144 = arith.constant 0 : i32
      %sign3A_1145 = arith.cmpi sgt, %jit3A_1135, %sign3A_1144 : i32
      %sign3A_1146 = arith.extui %sign3A_1145 : i1 to i32
      %sign3A_1147 = arith.constant 0 : i32
      %sign3A_1148 = arith.cmpi slt, %jit3A_1135, %sign3A_1147 : i32
      %sign3A_1149 = arith.extui %sign3A_1148 : i1 to i32
      %sign3A_1150 = arith.subi %sign3A_1146, %sign3A_1149 : i32
      %ne3A_1151 = arith.cmpi ne, %sign3A_1143, %sign3A_1150 : i32
      %rem3A_1152 = arith.remsi %add3A_1134, %jit3A_1135 : i32
      %ne3A_1153 = arith.constant 0 : i32
      %ne3A_1154 = arith.cmpi ne, %rem3A_1152, %ne3A_1153 : i32
      %and3A_1155 = arith.andi %ne3A_1151, %ne3A_1154 : i1
      %sub3A_1156 = arith.constant 1 : i32
      %sub3A_1157 = arith.subi %div3A_1136, %sub3A_1156 : i32
      %select_n3A_1158 = arith.select %and3A_1155, %sub3A_1157, %div3A_1136 : i32
      %jit3A_1159 = arith.constant 32 : i32
      %eq3A_1160 = arith.constant 0 : i32
      %eq3A_1161 = arith.cmpi eq, %jit3A_1159, %eq3A_1160 : i32
      %jit3A_1162 = arith.constant 1 : i32
      %select_n3A_1163 = arith.select %eq3A_1161, %jit3A_1162, %jit3A_1159 : i32
      %rem3A_1164 = arith.remsi %add3A_1134, %select_n3A_1163 : i32
      %ne3A_1165 = arith.constant 0 : i32
      %ne3A_1166 = arith.cmpi ne, %rem3A_1164, %ne3A_1165 : i32
      %lt3A_1167 = arith.constant 0 : i32
      %lt3A_1168 = arith.cmpi slt, %rem3A_1164, %lt3A_1167 : i32
      %lt3A_1169 = arith.constant 0 : i32
      %lt3A_1170 = arith.cmpi slt, %select_n3A_1163, %lt3A_1169 : i32
      %ne3A_1171 = arith.xori %lt3A_1168, %lt3A_1170 : i1
      %and3A_1172 = arith.andi %ne3A_1171, %ne3A_1166 : i1
      %add3A_1173 = arith.addi %rem3A_1164, %select_n3A_1163 : i32
      %select_n3A_1174 = arith.select %and3A_1172, %add3A_1173, %rem3A_1164 : i32
      %jit3A_1175 = arith.constant 16 : i32
      %div3A_1176 = arith.divsi %select_n3A_1174, %jit3A_1175 : i32
      %sign3A_1177 = arith.constant 0 : i32
      %sign3A_1178 = arith.cmpi sgt, %select_n3A_1174, %sign3A_1177 : i32
      %sign3A_1179 = arith.extui %sign3A_1178 : i1 to i32
      %sign3A_1180 = arith.constant 0 : i32
      %sign3A_1181 = arith.cmpi slt, %select_n3A_1174, %sign3A_1180 : i32
      %sign3A_1182 = arith.extui %sign3A_1181 : i1 to i32
      %sign3A_1183 = arith.subi %sign3A_1179, %sign3A_1182 : i32
      %sign3A_1184 = arith.constant 0 : i32
      %sign3A_1185 = arith.cmpi sgt, %jit3A_1175, %sign3A_1184 : i32
      %sign3A_1186 = arith.extui %sign3A_1185 : i1 to i32
      %sign3A_1187 = arith.constant 0 : i32
      %sign3A_1188 = arith.cmpi slt, %jit3A_1175, %sign3A_1187 : i32
      %sign3A_1189 = arith.extui %sign3A_1188 : i1 to i32
      %sign3A_1190 = arith.subi %sign3A_1186, %sign3A_1189 : i32
      %ne3A_1191 = arith.cmpi ne, %sign3A_1183, %sign3A_1190 : i32
      %rem3A_1192 = arith.remsi %select_n3A_1174, %jit3A_1175 : i32
      %ne3A_1193 = arith.constant 0 : i32
      %ne3A_1194 = arith.cmpi ne, %rem3A_1192, %ne3A_1193 : i32
      %and3A_1195 = arith.andi %ne3A_1191, %ne3A_1194 : i1
      %sub3A_1196 = arith.constant 1 : i32
      %sub3A_1197 = arith.subi %div3A_1176, %sub3A_1196 : i32
      %select_n3A_1198 = arith.select %and3A_1195, %sub3A_1197, %div3A_1176 : i32
      %jit3A_1199 = arith.constant 16 : i32
      %eq3A_1200 = arith.constant 0 : i32
      %eq3A_1201 = arith.cmpi eq, %jit3A_1199, %eq3A_1200 : i32
      %jit3A_1202 = arith.constant 1 : i32
      %select_n3A_1203 = arith.select %eq3A_1201, %jit3A_1202, %jit3A_1199 : i32
      %rem3A_1204 = arith.remsi %select_n3A_1174, %select_n3A_1203 : i32
      %ne3A_1205 = arith.constant 0 : i32
      %ne3A_1206 = arith.cmpi ne, %rem3A_1204, %ne3A_1205 : i32
      %lt3A_1207 = arith.constant 0 : i32
      %lt3A_1208 = arith.cmpi slt, %rem3A_1204, %lt3A_1207 : i32
      %lt3A_1209 = arith.constant 0 : i32
      %lt3A_1210 = arith.cmpi slt, %select_n3A_1203, %lt3A_1209 : i32
      %ne3A_1211 = arith.xori %lt3A_1208, %lt3A_1210 : i1
      %and3A_1212 = arith.andi %ne3A_1211, %ne3A_1206 : i1
      %add3A_1213 = arith.addi %rem3A_1204, %select_n3A_1203 : i32
      %select_n3A_1214 = arith.select %and3A_1212, %add3A_1213, %rem3A_1204 : i32
      %mul3A_1215 = arith.constant 128 : i32
      %mul3A_1216 = arith.muli %select_n3A_1214, %mul3A_1215 : i32
      %mul3A_1217 = arith.constant 64 : i32
      %mul3A_1218 = arith.muli %select_n3A_1198, %mul3A_1217 : i32
      %dma_start3A_1219 = arith.constant 7 : i32
      %dma_start3A_1220 = arith.constant 0 : i32
      %dma_start3A_1221 = arith.constant 0 : i32
      %dma_start3A_1222 = tpu.memref_slice %arg6[%dma_start3A_1219, %dma_start3A_1220, %dma_start3A_1221] : memref<8x128x64xf32, #tpu.memory_space<vmem>> -> memref<1x128x64xf32, #tpu.memory_space<vmem>>
      %dma_start3A_1223 = tpu.memref_squeeze %dma_start3A_1222 : memref<1x128x64xf32, #tpu.memory_space<vmem>> -> memref<128x64xf32, #tpu.memory_space<vmem>>
      %dma_start3A_1224 = tpu.memref_slice %arg4[%select_n3A_1158, %mul3A_1216, %mul3A_1218] : memref<200x2048x128xf32, #tpu.memory_space<hbm>> -> memref<1x128x64xf32, #tpu.memory_space<hbm>>
      %dma_start3A_1225 = tpu.memref_squeeze %dma_start3A_1224 : memref<1x128x64xf32, #tpu.memory_space<hbm>> -> memref<128x64xf32, #tpu.memory_space<hbm>>
      %dma_start3A_1226 = tpu.memref_slice %arg4[%select_n3A_1158, %mul3A_1216, %mul3A_1218] : memref<200x2048x128xf32, #tpu.memory_space<hbm>> -> memref<1x128x64xf32, #tpu.memory_space<hbm>>
      %dma_start3A_1227 = tpu.memref_squeeze %dma_start3A_1226 : memref<1x128x64xf32, #tpu.memory_space<hbm>> -> memref<128x64xf32, #tpu.memory_space<hbm>>
      %dma_start3A_1228 = arith.constant 0 : i32
      %dma_start3A_1229 = arith.constant 0 : i32
      %dma_start3A_1230 = tpu.memref_slice %arg6[%dma_start3A_1219, %dma_start3A_1228, %dma_start3A_1229] : memref<8x128x64xf32, #tpu.memory_space<vmem>> -> memref<1x128x64xf32, #tpu.memory_space<vmem>>
      %dma_start3A_1231 = tpu.memref_squeeze %dma_start3A_1230 : memref<1x128x64xf32, #tpu.memory_space<vmem>> -> memref<128x64xf32, #tpu.memory_space<vmem>>
      tpu.enqueue_dma source(%dma_start3A_1231 : memref<128x64xf32, #tpu.memory_space<vmem>>) target(%dma_start3A_1227 : memref<128x64xf32, #tpu.memory_space<hbm>>) target_semaphore(%arg8 : memref<!tpu.dma_semaphore, #tpu.memory_space<semaphore_mem>>)
      %scan3A_1232 = arith.constant 0 : i32
      scf.yield %scan3A_1232 : i32
    }
    %scan3A_55 = arith.constant 25 : i32
    %dma_wait3A = arith.constant 0 : i32
    %dma_wait3A_56 = arith.constant 0 : i32
    %dma_wait3A_57 = arith.constant 0 : i32
    %dma_wait3A_58 = arith.constant 0 : i32
    %dma_wait3A_59 = tpu.memref_slice %arg6[%dma_wait3A, %dma_wait3A_57, %dma_wait3A_58] : memref<8x128x64xf32, #tpu.memory_space<vmem>> -> memref<1x128x64xf32, #tpu.memory_space<vmem>>
    %dma_wait3A_60 = tpu.memref_squeeze %dma_wait3A_59 : memref<1x128x64xf32, #tpu.memory_space<vmem>> -> memref<128x64xf32, #tpu.memory_space<vmem>>
    %dma_wait3A_61 = arith.constant 0 : i32
    %dma_wait3A_62 = arith.constant 0 : i32
    %dma_wait3A_63 = tpu.memref_slice %arg4[%dma_wait3A_56, %dma_wait3A_61, %dma_wait3A_62] : memref<200x2048x128xf32, #tpu.memory_space<hbm>> -> memref<1x128x64xf32, #tpu.memory_space<hbm>>
    %dma_wait3A_64 = tpu.memref_squeeze %dma_wait3A_63 : memref<1x128x64xf32, #tpu.memory_space<hbm>> -> memref<128x64xf32, #tpu.memory_space<hbm>>
    %dma_wait3A_65 = arith.constant 0 : i32
    %dma_wait3A_66 = arith.constant 0 : i32
    %dma_wait3A_67 = tpu.memref_slice %arg4[%dma_wait3A_56, %dma_wait3A_65, %dma_wait3A_66] : memref<200x2048x128xf32, #tpu.memory_space<hbm>> -> memref<1x128x64xf32, #tpu.memory_space<hbm>>
    %dma_wait3A_68 = tpu.memref_squeeze %dma_wait3A_67 : memref<1x128x64xf32, #tpu.memory_space<hbm>> -> memref<128x64xf32, #tpu.memory_space<hbm>>
    %dma_wait3A_69 = arith.constant 0 : i32
    %dma_wait3A_70 = arith.constant 0 : i32
    %dma_wait3A_71 = tpu.memref_slice %arg6[%dma_wait3A, %dma_wait3A_69, %dma_wait3A_70] : memref<8x128x64xf32, #tpu.memory_space<vmem>> -> memref<1x128x64xf32, #tpu.memory_space<vmem>>
    %dma_wait3A_72 = tpu.memref_squeeze %dma_wait3A_71 : memref<1x128x64xf32, #tpu.memory_space<vmem>> -> memref<128x64xf32, #tpu.memory_space<vmem>>
    tpu.wait_dma2 semaphore(%arg8 : memref<!tpu.dma_semaphore, #tpu.memory_space<semaphore_mem>>) src(%dma_wait3A_72 : memref<128x64xf32, #tpu.memory_space<vmem>>) dst(%dma_wait3A_68 : memref<128x64xf32, #tpu.memory_space<hbm>>)
    %dma_wait3A_73 = arith.constant 0 : i32
    %dma_wait3A_74 = arith.constant 0 : i32
    %dma_wait3A_75 = arith.constant 0 : i32
    %dma_wait3A_76 = arith.constant 0 : i32
    %dma_wait3A_77 = tpu.memref_slice %arg6[%dma_wait3A_73, %dma_wait3A_75, %dma_wait3A_76] : memref<8x128x64xf32, #tpu.memory_space<vmem>> -> memref<1x128x64xf32, #tpu.memory_space<vmem>>
    %dma_wait3A_78 = tpu.memref_squeeze %dma_wait3A_77 : memref<1x128x64xf32, #tpu.memory_space<vmem>> -> memref<128x64xf32, #tpu.memory_space<vmem>>
    %dma_wait3A_79 = arith.constant 0 : i32
    %dma_wait3A_80 = arith.constant 0 : i32
    %dma_wait3A_81 = tpu.memref_slice %arg4[%dma_wait3A_74, %dma_wait3A_79, %dma_wait3A_80] : memref<200x2048x128xf32, #tpu.memory_space<hbm>> -> memref<1x128x64xf32, #tpu.memory_space<hbm>>
    %dma_wait3A_82 = tpu.memref_squeeze %dma_wait3A_81 : memref<1x128x64xf32, #tpu.memory_space<hbm>> -> memref<128x64xf32, #tpu.memory_space<hbm>>
    %dma_wait3A_83 = arith.constant 0 : i32
    %dma_wait3A_84 = arith.constant 0 : i32
    %dma_wait3A_85 = tpu.memref_slice %arg4[%dma_wait3A_74, %dma_wait3A_83, %dma_wait3A_84] : memref<200x2048x128xf32, #tpu.memory_space<hbm>> -> memref<1x128x64xf32, #tpu.memory_space<hbm>>
    %dma_wait3A_86 = tpu.memref_squeeze %dma_wait3A_85 : memref<1x128x64xf32, #tpu.memory_space<hbm>> -> memref<128x64xf32, #tpu.memory_space<hbm>>
    %dma_wait3A_87 = arith.constant 0 : i32
    %dma_wait3A_88 = arith.constant 0 : i32
    %dma_wait3A_89 = tpu.memref_slice %arg6[%dma_wait3A_73, %dma_wait3A_87, %dma_wait3A_88] : memref<8x128x64xf32, #tpu.memory_space<vmem>> -> memref<1x128x64xf32, #tpu.memory_space<vmem>>
    %dma_wait3A_90 = tpu.memref_squeeze %dma_wait3A_89 : memref<1x128x64xf32, #tpu.memory_space<vmem>> -> memref<128x64xf32, #tpu.memory_space<vmem>>
    tpu.wait_dma2 semaphore(%arg8 : memref<!tpu.dma_semaphore, #tpu.memory_space<semaphore_mem>>) src(%dma_wait3A_90 : memref<128x64xf32, #tpu.memory_space<vmem>>) dst(%dma_wait3A_86 : memref<128x64xf32, #tpu.memory_space<hbm>>)
    %dma_wait3A_91 = arith.constant 0 : i32
    %dma_wait3A_92 = arith.constant 0 : i32
    %dma_wait3A_93 = arith.constant 0 : i32
    %dma_wait3A_94 = arith.constant 0 : i32
    %dma_wait3A_95 = tpu.memref_slice %arg6[%dma_wait3A_91, %dma_wait3A_93, %dma_wait3A_94] : memref<8x128x64xf32, #tpu.memory_space<vmem>> -> memref<1x128x64xf32, #tpu.memory_space<vmem>>
    %dma_wait3A_96 = tpu.memref_squeeze %dma_wait3A_95 : memref<1x128x64xf32, #tpu.memory_space<vmem>> -> memref<128x64xf32, #tpu.memory_space<vmem>>
    %dma_wait3A_97 = arith.constant 0 : i32
    %dma_wait3A_98 = arith.constant 0 : i32
    %dma_wait3A_99 = tpu.memref_slice %arg4[%dma_wait3A_92, %dma_wait3A_97, %dma_wait3A_98] : memref<200x2048x128xf32, #tpu.memory_space<hbm>> -> memref<1x128x64xf32, #tpu.memory_space<hbm>>
    %dma_wait3A_100 = tpu.memref_squeeze %dma_wait3A_99 : memref<1x128x64xf32, #tpu.memory_space<hbm>> -> memref<128x64xf32, #tpu.memory_space<hbm>>
    %dma_wait3A_101 = arith.constant 0 : i32
    %dma_wait3A_102 = arith.constant 0 : i32
    %dma_wait3A_103 = tpu.memref_slice %arg4[%dma_wait3A_92, %dma_wait3A_101, %dma_wait3A_102] : memref<200x2048x128xf32, #tpu.memory_space<hbm>> -> memref<1x128x64xf32, #tpu.memory_space<hbm>>
    %dma_wait3A_104 = tpu.memref_squeeze %dma_wait3A_103 : memref<1x128x64xf32, #tpu.memory_space<hbm>> -> memref<128x64xf32, #tpu.memory_space<hbm>>
    %dma_wait3A_105 = arith.constant 0 : i32
    %dma_wait3A_106 = arith.constant 0 : i32
    %dma_wait3A_107 = tpu.memref_slice %arg6[%dma_wait3A_91, %dma_wait3A_105, %dma_wait3A_106] : memref<8x128x64xf32, #tpu.memory_space<vmem>> -> memref<1x128x64xf32, #tpu.memory_space<vmem>>
    %dma_wait3A_108 = tpu.memref_squeeze %dma_wait3A_107 : memref<1x128x64xf32, #tpu.memory_space<vmem>> -> memref<128x64xf32, #tpu.memory_space<vmem>>
    tpu.wait_dma2 semaphore(%arg8 : memref<!tpu.dma_semaphore, #tpu.memory_space<semaphore_mem>>) src(%dma_wait3A_108 : memref<128x64xf32, #tpu.memory_space<vmem>>) dst(%dma_wait3A_104 : memref<128x64xf32, #tpu.memory_space<hbm>>)
    %dma_wait3A_109 = arith.constant 0 : i32
    %dma_wait3A_110 = arith.constant 0 : i32
    %dma_wait3A_111 = arith.constant 0 : i32
    %dma_wait3A_112 = arith.constant 0 : i32
    %dma_wait3A_113 = tpu.memref_slice %arg6[%dma_wait3A_109, %dma_wait3A_111, %dma_wait3A_112] : memref<8x128x64xf32, #tpu.memory_space<vmem>> -> memref<1x128x64xf32, #tpu.memory_space<vmem>>
    %dma_wait3A_114 = tpu.memref_squeeze %dma_wait3A_113 : memref<1x128x64xf32, #tpu.memory_space<vmem>> -> memref<128x64xf32, #tpu.memory_space<vmem>>
    %dma_wait3A_115 = arith.constant 0 : i32
    %dma_wait3A_116 = arith.constant 0 : i32
    %dma_wait3A_117 = tpu.memref_slice %arg4[%dma_wait3A_110, %dma_wait3A_115, %dma_wait3A_116] : memref<200x2048x128xf32, #tpu.memory_space<hbm>> -> memref<1x128x64xf32, #tpu.memory_space<hbm>>
    %dma_wait3A_118 = tpu.memref_squeeze %dma_wait3A_117 : memref<1x128x64xf32, #tpu.memory_space<hbm>> -> memref<128x64xf32, #tpu.memory_space<hbm>>
    %dma_wait3A_119 = arith.constant 0 : i32
    %dma_wait3A_120 = arith.constant 0 : i32
    %dma_wait3A_121 = tpu.memref_slice %arg4[%dma_wait3A_110, %dma_wait3A_119, %dma_wait3A_120] : memref<200x2048x128xf32, #tpu.memory_space<hbm>> -> memref<1x128x64xf32, #tpu.memory_space<hbm>>
    %dma_wait3A_122 = tpu.memref_squeeze %dma_wait3A_121 : memref<1x128x64xf32, #tpu.memory_space<hbm>> -> memref<128x64xf32, #tpu.memory_space<hbm>>
    %dma_wait3A_123 = arith.constant 0 : i32
    %dma_wait3A_124 = arith.constant 0 : i32
    %dma_wait3A_125 = tpu.memref_slice %arg6[%dma_wait3A_109, %dma_wait3A_123, %dma_wait3A_124] : memref<8x128x64xf32, #tpu.memory_space<vmem>> -> memref<1x128x64xf32, #tpu.memory_space<vmem>>
    %dma_wait3A_126 = tpu.memref_squeeze %dma_wait3A_125 : memref<1x128x64xf32, #tpu.memory_space<vmem>> -> memref<128x64xf32, #tpu.memory_space<vmem>>
    tpu.wait_dma2 semaphore(%arg8 : memref<!tpu.dma_semaphore, #tpu.memory_space<semaphore_mem>>) src(%dma_wait3A_126 : memref<128x64xf32, #tpu.memory_space<vmem>>) dst(%dma_wait3A_122 : memref<128x64xf32, #tpu.memory_space<hbm>>)
    return
  }
}

module attributes {stable_mosaic.version = 14 : i64} {
  func.func @_ln_body(%arg0: i32, %arg1: memref<10000x64xf32, #tpu.memory_space<vmem>>, %arg2: memref<1x64xf32, #tpu.memory_space<vmem>>, %arg3: memref<1x64xf32, #tpu.memory_space<vmem>>, %arg4: memref<10000x64xf32, #tpu.memory_space<vmem>>) attributes {dimension_semantics = [#tpu.dimension_semantics<arbitrary>], iteration_bounds = array<i64: 10>, scalar_prefetch = 0 : i64, scratch_operands = 0 : i64, tpu.core_type = #tpu.core_type<tc>, window_params = [{transform_indices = @transform_0, window_bounds = array<i64: 10000, 64>}, {pipeline_mode = #tpu.pipeline_mode<synchronous>, transform_indices = @transform_1, window_bounds = array<i64: 1, 64>}, {pipeline_mode = #tpu.pipeline_mode<synchronous>, transform_indices = @transform_2, window_bounds = array<i64: 1, 64>}, {transform_indices = @transform_3, window_bounds = array<i64: 10000, 64>}]} {
    %get3A = arith.constant 0 : index
    %get3A_0 = arith.constant 0 : index
    %get3A_1 = vector.load %arg1[%get3A, %get3A_0] : memref<10000x64xf32, #tpu.memory_space<vmem>>, vector<10000x64xf32>
    %reduce_sum3A = arith.constant dense<0.000000e+00> : vector<10000xf32>
    %reduce_sum3A_2 = vector.multi_reduction <add>, %get3A_1, %reduce_sum3A [1] : vector<10000x64xf32> to vector<10000xf32>
    %broadcast_in_dim3A = vector.shape_cast %reduce_sum3A_2 : vector<10000xf32> to vector<10000x1xf32>
    %div3A = arith.constant 6.400000e+01 : f32
    %div3A_3 = vector.broadcast %div3A : f32 to vector<10000x1xf32>
    %div3A_4 = arith.divf %broadcast_in_dim3A, %div3A_3 : vector<10000x1xf32>
    %sub3A = vector.broadcast %div3A_4 : vector<10000x1xf32> to vector<10000x64xf32>
    %sub3A_5 = arith.subf %get3A_1, %sub3A : vector<10000x64xf32>
    %mul3A = arith.mulf %sub3A_5, %sub3A_5 : vector<10000x64xf32>
    %reduce_sum3A_6 = arith.constant dense<0.000000e+00> : vector<10000xf32>
    %reduce_sum3A_7 = vector.multi_reduction <add>, %mul3A, %reduce_sum3A_6 [1] : vector<10000x64xf32> to vector<10000xf32>
    %broadcast_in_dim3A_8 = vector.shape_cast %reduce_sum3A_7 : vector<10000xf32> to vector<10000x1xf32>
    %div3A_9 = arith.constant 6.400000e+01 : f32
    %div3A_10 = vector.broadcast %div3A_9 : f32 to vector<10000x1xf32>
    %div3A_11 = arith.divf %broadcast_in_dim3A_8, %div3A_10 : vector<10000x1xf32>
    %add3A = arith.constant 9.99999974E-6 : f32
    %add3A_12 = vector.broadcast %add3A : f32 to vector<10000x1xf32>
    %add3A_13 = arith.addf %div3A_11, %add3A_12 : vector<10000x1xf32>
    %rsqrt3A = math.rsqrt %add3A_13 : vector<10000x1xf32>
    %mul3A_14 = vector.broadcast %rsqrt3A : vector<10000x1xf32> to vector<10000x64xf32>
    %mul3A_15 = arith.mulf %sub3A_5, %mul3A_14 : vector<10000x64xf32>
    %get3A_16 = arith.constant 0 : index
    %get3A_17 = arith.constant 0 : index
    %get3A_18 = vector.load %arg2[%get3A_16, %get3A_17] : memref<1x64xf32, #tpu.memory_space<vmem>>, vector<1x64xf32>
    %mul3A_19 = vector.broadcast %get3A_18 : vector<1x64xf32> to vector<10000x64xf32>
    %mul3A_20 = arith.mulf %mul3A_15, %mul3A_19 : vector<10000x64xf32>
    %get3A_21 = arith.constant 0 : index
    %get3A_22 = arith.constant 0 : index
    %get3A_23 = vector.load %arg3[%get3A_21, %get3A_22] : memref<1x64xf32, #tpu.memory_space<vmem>>, vector<1x64xf32>
    %add3A_24 = vector.broadcast %get3A_23 : vector<1x64xf32> to vector<10000x64xf32>
    %add3A_25 = arith.addf %mul3A_20, %add3A_24 : vector<10000x64xf32>
    %swap3A = arith.constant 0 : index
    %swap3A_26 = arith.constant 0 : index
    %swap3A_27 = vector.load %arg4[%swap3A, %swap3A_26] : memref<10000x64xf32, #tpu.memory_space<vmem>>, vector<10000x64xf32>
    tpu.vector_store %arg4[%swap3A, %swap3A_26], %add3A_25 {strides = array<i32>} : memref<10000x64xf32, #tpu.memory_space<vmem>>, vector<10000x64xf32>,
    return
  }
  func.func @transform_0(%arg0: i32) -> (i32, i32) {
    %c0_i32 = arith.constant 0 : i32
    %c0_i32_0 = arith.constant 0 : i32
    return %arg0, %c0_i32 : i32, i32
  }
  func.func @transform_1(%arg0: i32) -> (i32, i32) {
    %c0_i32 = arith.constant 0 : i32
    %c0_i32_0 = arith.constant 0 : i32
    %c0_i32_1 = arith.constant 0 : i32
    return %c0_i32, %c0_i32_0 : i32, i32
  }
  func.func @transform_2(%arg0: i32) -> (i32, i32) {
    %c0_i32 = arith.constant 0 : i32
    %c0_i32_0 = arith.constant 0 : i32
    %c0_i32_1 = arith.constant 0 : i32
    return %c0_i32, %c0_i32_0 : i32, i32
  }
  func.func @transform_3(%arg0: i32) -> (i32, i32) {
    %c0_i32 = arith.constant 0 : i32
    %c0_i32_0 = arith.constant 0 : i32
    return %arg0, %c0_i32 : i32, i32
  }
}

module attributes {stable_mosaic.version = 14 : i64} {
  func.func @_tr_body(%arg0: i32, %arg1: memref<4x2048x128xf32, #tpu.memory_space<vmem>>, %arg2: memref<4x64x4096xf32, #tpu.memory_space<vmem>>) attributes {dimension_semantics = [#tpu.dimension_semantics<arbitrary>], iteration_bounds = array<i64: 50>, scalar_prefetch = 0 : i64, scratch_operands = 0 : i64, tpu.core_type = #tpu.core_type<tc>, window_params = [{transform_indices = @transform_0, window_bounds = array<i64: 4, 2048, 128>}, {transform_indices = @transform_1, window_bounds = array<i64: 4, 64, 4096>}]} {
    %get3A = arith.constant 0 : index
    %get3A_0 = arith.constant 0 : index
    %get3A_1 = arith.constant 0 : index
    %get3A_2 = vector.load %arg1[%get3A, %get3A_0, %get3A_1] : memref<4x2048x128xf32, #tpu.memory_space<vmem>>, vector<4x2048x128xf32>
    %slice3A = vector.extract_strided_slice %get3A_2 {offsets = [0, 0, 0], sizes = [4, 2048, 64], strides = [1, 1, 1]} : vector<4x2048x128xf32> to vector<4x2048x64xf32>
    %transpose3A = tpu.transpose %slice3A, [0, 2, 1] : vector<4x2048x64xf32> -> vector<4x64x2048xf32>
    %swap3A = arith.constant 0 : index
    %swap3A_3 = arith.constant 0 : index
    %swap3A_4 = arith.constant 0 : index
    %swap3A_5 = vector.load %arg2[%swap3A, %swap3A_3, %swap3A_4] : memref<4x64x4096xf32, #tpu.memory_space<vmem>>, vector<4x64x2048xf32>
    tpu.vector_store %arg2[%swap3A, %swap3A_3, %swap3A_4], %transpose3A {strides = array<i32>} : memref<4x64x4096xf32, #tpu.memory_space<vmem>>, vector<4x64x2048xf32>,
    %slice3A_6 = vector.extract_strided_slice %get3A_2 {offsets = [0, 0, 64], sizes = [4, 2048, 64], strides = [1, 1, 1]} : vector<4x2048x128xf32> to vector<4x2048x64xf32>
    %transpose3A_7 = tpu.transpose %slice3A_6, [0, 2, 1] : vector<4x2048x64xf32> -> vector<4x64x2048xf32>
    %swap3A_8 = arith.constant 0 : index
    %swap3A_9 = arith.constant 0 : index
    %swap3A_10 = arith.constant 2048 : index
    %swap3A_11 = vector.load %arg2[%swap3A_8, %swap3A_9, %swap3A_10] : memref<4x64x4096xf32, #tpu.memory_space<vmem>>, vector<4x64x2048xf32>
    tpu.vector_store %arg2[%swap3A_8, %swap3A_9, %swap3A_10], %transpose3A_7 {strides = array<i32>} : memref<4x64x4096xf32, #tpu.memory_space<vmem>>, vector<4x64x2048xf32>,
    return
  }
  func.func @transform_0(%arg0: i32) -> (i32, i32, i32) {
    %c0_i32 = arith.constant 0 : i32
    %c0_i32_0 = arith.constant 0 : i32
    %c0_i32_1 = arith.constant 0 : i32
    return %arg0, %c0_i32, %c0_i32_0 : i32, i32, i32
  }
  func.func @transform_1(%arg0: i32) -> (i32, i32, i32) {
    %c0_i32 = arith.constant 0 : i32
    %c0_i32_0 = arith.constant 0 : i32
    %c0_i32_1 = arith.constant 0 : i32
    return %arg0, %c0_i32, %c0_i32_0 : i32, i32, i32
  }
}

</mosaic_0001>

<sc_bundles>
// kernel: kernel.5.cloned.1.call-start
scs
__scs_entry_jumppad:
0x0: {  	(pc) =	sbr.rel $0x88, $3  }
0x1: {  	(tag) =	ssettag $0x0;
	lr =	simm.s32 $0x1  }
0x2: {  	[smem:$0x3F9D] =	sst lr;
	_ =	strace $0xD0000000  }
0x3: {  	_ = 	snop  }
0x4: {  	_ = 	snop  }
0x5: {  	_ = 	snop  }
0x6: {  	_ = 	snop  }
0x7: {  	_ = 	snop  }
__scs_overlays_trampoline_lowered:
0x8: {  	[smem:$0x3FAC] =	sst s0  }
0x9: {  	[smem:$0x3FAD] =	sst s1  }
0xa: {  	[smem:$0x3FAE] =	sst s2  }
0xb: {  	[smem:$0x3FAF] =	sst s3  }
0xc: {  	[smem:$0x3FB0] =	sst s4  }
0xd: {  	[smem:$0x3FB1] =	sst s5  }
0xe: {  	[smem:$0x3FB2] =	sst s6  }
0xf: {  	[smem:$0x3FB3] =	sst s7  }
0x10: {  	[smem:$0x3FB4] =	sst s8  }
0x11: {  	[smem:$0x3FB5] =	sst s9;
	s0 =	simm.s32 @!p0 $0x0  }
0x12: {  	s1 =	sld [smem:$0x3F9B];
	s0 =	simm.s32 @p0 $0x1  }
0x13: {  	[smem:$0x3FB6] =	sst s0;
	s0 =	simm.s32 @!p1 $0x0  }
0x14: {  	s2 =	sld [smem:$0x3F9A];
	s0 =	simm.s32 @p1 $0x1  }
0x15: {  	[smem:$0x3FB7] =	sst s0;
	s0 =	simm.s32 @!p2 $0x0  }
0x16: {  	s3 =	sld [smem:$0x3FDB];
	s0 =	simm.s32 @p2 $0x1  }
0x17: {  	s4 =	simm.s32 $0x1BF5;
	[smem:$0x3FB9] =	sst s0  }
0x18: {  	s0 =	sld [smem:$0x3F9C];
	_ =	swait.ge [sflag:s4], $0x0  }
0x19: {  	s7 =	sld [smem:$0x3F9D]  }
0x1a: {  	s8 =	sadd.s32 $0xFFFFE003, lr  }
0x1b: {  	s9 =	sadd.s32 $0xFFFFFEF7, lr;
	s5 =	simm.s32 $0xFFFFFFFF;
	p2 =	slt.u32 s8, $0xFFFFF086  }
0x1c: {  	p1 =	slt.u32 s9, $0xF7A;
	s5 =	simm.s32 @!p2 $0x0  }
0x1d: {  	s5 =	simm.s32 @p1 $0x1;
	p0 =	seq.s32 s7, s2  }
0x1e: {  	s7 =	smul.u32 @!p0 $0xF7A, s2;
	p2 =	seq.s32 @!p0 s5, $0x0  }
0x1f: {  	s9 =	smul.u32 $0xF7A, s1;
	s8 =	simm.s32 @!p0 $0x1BF5;
	p2 =	por !p2, p0  }
0x20: {  	[sflag:s8] =	ssyncset.s32 @!p0 $0xFFFFF086;
	s6 =	sadd.s32 @!p0 s3, s7;
	s7 =	simm.s32 @!p0 $0x108  }
0x21: {  	s3 =	sadd.s32 s3, s9;
	s6 =	sadd.s32 @!p0 $0x88, s6;
	s7 =	simm.s32 @p2 $0x1082  }
0x22: {  	[simem:s7], [sflag:s8] =	dma.local @!p0 [hbm:s6], $0xF7A  }
0x23: {  	s9 =	sor.u32 $0xD0000000, s2;
	s6 =	simm.s32 $0x108;
	_ =	swait.ge @!p0 [sflag:s8], $0x0  }
0x24: {  	s3 =	sadd.s32 $0x88, s3;
	s6 =	simm.s32 @!p1 $0x1082;
	[sflag:s4] =	ssyncset.s32 $0xFFFFF086  }
0x25: {  	[simem:s6], [sflag:s4] =	dma.local [hbm:s3], $0xF7A  }
0x26: {  	[smem:$0x3F9D] =	sst s1;
	(tag) =	ssettag s2;
	_ =	strace s9  }
0x27: {  	s1 =	sld [smem:$0x3FAD]  }
0x28: {  	s2 =	sld [smem:$0x3FAE]  }
0x29: {  	s4 =	sld [smem:$0x3FB0]  }
0x2a: {  	p0 =	seq.s32 s5, $0x0;
	s5 =	sld [smem:$0x3FB1]  }
0x2b: {  	s6 =	sld [smem:$0x3FB2]  }
0x2c: {  	s7 =	sld [smem:$0x3FB3]  }
0x2d: {  	s3 =	simm.s32 $0x108;
	s8 =	sld [smem:$0x3FB4]  }
0x2e: {  	s3 =	simm.s32 @!p0 $0x1082;
	s9 =	sld [smem:$0x3FB5]  }
0x2f: {  	lr =	sadd.s32 s0, s3;
	s0 =	sld [smem:$0x3FAC]  }
0x30: {  	s3 =	sld [smem:$0x3FAF]  }
0x31: {  	[smem:$0x3FB8] =	sst s10  }
0x32: {  	s10 =	sld [smem:$0x3FB6];
	_ =	sdelay $0x3  }
0x33: {  	p0 =	seq.s32 s10, $0x1;
	s10 =	sld [smem:$0x3FB8];
	_ =	sdelay $0x3  }
0x34: {  	[smem:$0x3FB8] =	sst s10  }
0x35: {  	s10 =	sld [smem:$0x3FB7];
	_ =	sdelay $0x3  }
0x36: {  	p1 =	seq.s32 s10, $0x1;
	s10 =	sld [smem:$0x3FB8];
	_ =	sdelay $0x3  }
0x37: {  	[smem:$0x3FB8] =	sst s10  }
0x38: {  	s10 =	sld [smem:$0x3FB9]  }
0x39: {  	_ = 	snop;
	(pc) =	sbr.ind lr, $3  }
0x3a: {  	_ = 	snop  }
0x3b: {  	_ = 	snop  }
0x3c: {  	p2 =	seq.s32 s10, $0x1;
	s10 =	sld [smem:$0x3FB8]  }
0x3d: {  	_ =	shalt  }
0x3e: {  	_ =	shalt  }
0x3f: {  	_ =	shalt  }
0x40: {  	_ =	shalt  }
0x41: {  	_ =	shalt  }
0x42: {  	_ =	shalt  }
0x43: {  	_ =	shalt  }
0x44: {  	_ =	shalt  }
0x45: {  	_ =	shalt  }
0x46: {  	_ =	shalt  }
0x47: {  	_ =	shalt  }
0x48: {  	_ =	shalt  }
0x49: {  	_ =	shalt  }
0x4a: {  	_ =	shalt  }
0x4b: {  	_ =	shalt  }
0x4c: {  	_ =	shalt  }
0x4d: {  	_ =	shalt  }
0x4e: {  	_ =	shalt  }
0x4f: {  	_ =	shalt  }
0x50: {  	_ =	shalt  }
0x51: {  	_ =	shalt  }
0x52: {  	_ =	shalt  }
0x53: {  	_ =	shalt  }
0x54: {  	_ =	shalt  }
0x55: {  	_ =	shalt  }
0x56: {  	_ =	shalt  }
0x57: {  	_ =	shalt  }
0x58: {  	_ =	shalt  }
0x59: {  	_ =	shalt  }
0x5a: {  	_ =	shalt  }
0x5b: {  	_ =	shalt  }
0x5c: {  	_ =	shalt  }
0x5d: {  	_ =	shalt  }
0x5e: {  	_ =	shalt  }
0x5f: {  	_ =	shalt  }
0x60: {  	_ =	shalt  }
0x61: {  	_ =	shalt  }
0x62: {  	_ =	shalt  }
0x63: {  	_ =	shalt  }
0x64: {  	_ =	shalt  }
0x65: {  	_ =	shalt  }
0x66: {  	_ =	shalt  }
0x67: {  	_ =	shalt  }
0x68: {  	_ =	shalt  }
0x69: {  	_ =	shalt  }
0x6a: {  	_ =	shalt  }
0x6b: {  	_ =	shalt  }
0x6c: {  	_ =	shalt  }
0x6d: {  	_ =	shalt  }
0x6e: {  	_ =	shalt  }
0x6f: {  	_ =	shalt  }
0x70: {  	_ =	shalt  }
0x71: {  	_ =	shalt  }
0x72: {  	_ =	shalt  }
0x73: {  	_ =	shalt  }
0x74: {  	_ =	shalt  }
0x75: {  	_ =	shalt  }
0x76: {  	_ =	shalt  }
0x77: {  	_ =	shalt  }
0x78: {  	_ =	shalt  }
0x79: {  	_ =	shalt  }
0x7a: {  	_ =	shalt  }
0x7b: {  	_ =	shalt  }
0x7c: {  	_ =	shalt  }
0x7d: {  	_ =	shalt  }
0x7e: {  	_ =	shalt  }
0x7f: {  	_ =	shalt  }
0x80: {  	_ =	shalt  }
0x81: {  	_ =	shalt  }
0x82: {  	_ =	shalt  }
0x83: {  	_ =	shalt  }
0x84: {  	_ =	shalt  }
0x85: {  	_ =	shalt  }
0x86: {  	_ =	shalt  }
0x87: {  	_ =	shalt  }
.Lfunc_end0:
.L_simem_size_0:
called_computation_lowered:
.L_overlay_start_0:
0x88: {  	s2 =	sld [smem:$0x3FD9]  }
0x89: {  	s3 =	sld [smem:$0x3FFE];
	_ =	sdelay $0x1  }
0x8a: {  	s1 =	srdreg.scid  }
0x8b: {  	s0 =	sand.u32 $0x1, s1  }
0x8c: {  	s17 =	sshll.u32 s0, $0xA;
	s2 =	sadd.s32 s3, s2  }
0x8d: {  	s2 =	sadd.s32 s2, s17  }
0x8e: {  	[smem:$0x3FC4] =	sst s2  }
0x8f: {  	_ = 	snop  }
0x90: {  	s2 =	sld [smem:$0x3FD0];
	(tm) =	ssettm $0x1  }
0x91: {  	s18 =	sld [smem:$0x3FFB];
	_ =	sdelay $0x3  }
0x92: {  	_ =	strace s18  }
0x93: {  	s3 =	sld [smem:$0x3FFC];
	_ =	sdelay $0x3  }
0x94: {  	_ =	strace s3  }
0x95: {  	s3 =	sld [smem:$0x3FFD];
	_ =	sdelay $0x3  }
0x96: {  	_ =	strace s3  }
0x97: {  	_ =	strace $0x8FFFFFFF  }
0x98: {  	s19 =	sld [smem:$0x3FDB];
	_ =	sdelay $0x1  }
0x99: {  	s4 =	simm.s32 $_scs_section_size  }
0x9a: {  	s5 =	simm.s32 $_size__tile_overlayer_lowered;
	s6 =	simm.s32 $_tile_overlayer_lowered  }
0x9b: {  	s22 =	simm.s32 $0x1BFF;
	s21 =	sshll.u32 s6, $0x1;
	s3 =	sadd.s32 s4, s19  }
0x9c: {  	s7 =	simm.s32 $0x0;
	s20 =	sshll.u32 s5, $0x1;
	s5 =	sadd.s32 s21, s3  }
0x9d: {  	[timem:s7], [sflag:s22] =	dma.local [hbm:s5], s20  }
0x9e: {  	_ =	swait.ge [sflag:s22], s20  }
0x9f: {  	s4 =	ssub.s32 $0x0, s20;
	[sflag:s22] =	ssyncset.done $0x0  }
0xa0: {  	[sflag:s22] =	ssyncadd.s32 s4;
	_ =	sdelay $0x1  }
0xa1: {  	s23 =	simm.s32 $0x1B8B  }
0xa2: {  	_ =	swait.ge [sflag:s23], $0x1  }
0xa3: {  	[sflag:s23] =	ssyncset.done $0x0  }
0xa4: {  	s25 =	simm.s32 $0x1B8E;
	s24 =	sld [smem:$0x3FFE];
	[sflag:s23] =	ssyncadd.s32 $0xFFFFFFFF  }
0xa5: {  	s26 =	simm.s32 $execute0_lowered;
	[smem:$0x3FD2] =	sst s25  }
0xa6: {  	s5 =	sshll.u32 s26, $0x1;
	_ =	strace $0x80000046;
	[dreg:$0x1] =	wrdreg $0xFFFFFFFF  }
0xa7: {  	s28 =	simm.s32 $_size_execute0_lowered;
	s3 =	sadd.s32 s3, s5;
	[dreg:$0x0] =	wrdreg $0x0  }
0xa8: {  	s5 =	sshll.u32 s28, $0x1;
	[dreg:$0x2] =	wrdreg s3  }
0xa9: {  	[dreg:$0x3] =	wrdreg s5  }
0xaa: {  	[dreg:$0x4] =	wrdreg $0xC0  }
0xab: {  	_ =	task [dreg:s7], $0x5FFFF  }
0xac: {  	[dreg:$0x1] =	wrdreg $0xFFFFFFFF  }
0xad: {  	[dreg:$0x0] =	wrdreg $0x60  }
0xae: {  	[dreg:$0x2] =	wrdreg s2  }
0xaf: {  	[dreg:$0x3] =	wrdreg s24  }
0xb0: {  	[dreg:$0x4] =	wrdreg $0x9  }
0xb1: {  	_ =	task.clear_ibuf [dreg:s7], $0x5FFFF;
	_ =	strace $0x90000046  }
0xb2: {  	s29 =	simm.s32 $0x9;
	_ =	strace $0x80000048  }
0xb3: {  	_ =	swait.ge [sflag:s29], $0x1  }
0xb4: {  	[sflag:s29] =	ssyncadd.s32 $0xFFFFFFFF  }
0xb5: {  	_ =	strace $0x90000048  }
0xb6: {  	_ =	sfence  }
0xb7: {  	s30 =	sld [smem:$0x0];
	_ =	sdelay $0x2  }
0xb8: {  	s31 =	sshll.u32 s1, $0xD;
	s1 =	sshrl.u32 s1, $0x2  }
0xb9: {  	s3 =	sand.u32 $0x4000, s31;
	s1 =	sadd.s32 s1, s30  }
0xba: {  	s0 =	sor.u32 s3, s0;
	s1 =	sshll.u32 s1, $0x11  }
0xbb: {  	s0 =	sor.u32 s1, s0  }
0xbc: {  	s0 =	sadd.s32 $0x8F2B, s0  }
0xbd: {  	[sflag:s0] =	ssyncadd.remote.s32 $0x1  }
0xbe: {  	_ =	sfence.sel $0xFFFF  }
0xbf: {  	[dreg:$0x0] =	wrdreg $0xFFFFFFFF;
	(pc) =	sbr.abs _section_cstart, $3  }
0xc0: {  	[dreg:$0x1] =	wrdreg $0xFFFFFFFF  }
0xc1: {  	_ =	task.clear_ibuf [dreg:s7], $0x2FFFF;
	_ =	strace $0x9FFFFFFF  }
0xc2: {  	(tm) =	ssettm $0x7FFFFFFF  }
0xc3: {  	_ =	shalt  }
tec
execute0_lowered:
.L_overlay_start_1:
0x0: {  	(tag) =	ssettag $0x1  }
0x1: {  	s11 =	stileid.u32  }
0x2: {  	s2 =	smul.u32 $0x320000, s11  }
0x3: {  	s0 =	srdreg.scid;
	s6 =	smul.u32 $0x190, s11  }
0x4: {  	s3 =	rddreg [dreg:$0x1];
	s4 =	simm.s32 $0x0;
	s8 =	smul.u32 $0x640, s11  }
0x5: {  	s0 =	sand.u32 $0x1, s0;
	s1 =	sshll.u32 s11, $0x1;
	s11 =	smul.u32 $0x640000, s11  }
0x6: {  	[smem:$0x7FF] =	sst s4;
	s5 =	smul.u32 $0x190000, s0  }
0x7: {  	s19 =	sadd.s32 $0x19800, s3;
	s1 =	sor.u32 s0, s1;
	s7 =	smul.u32 $0xC8, s0  }
0x8: {  	_ =	strace $0x80000047;
	s9 =	ssub.s32 $0x2, s0;
	s10 =	smul.u32 $0x320, s0  }
0x9: {  	s0 =	smul.u32 $0x320000, s0;
	[dreg:$0x4] =	wrdreg s19;
	s29 =	sadd.s32 s5, s2  }
0xa: {  	s1 =	smul.u32 $0xC80, s1;
	s30 =	sadd.s32 s7, s6;
	[dreg:$0x12] =	wrdreg s29  }
0xb: {  	s26 =	sshrl.u32 s9, $0x1;
	s31 =	sadd.s32 s10, s8;
	[dreg:$0x13] =	wrdreg s30  }
0xc: {  	s0 =	sadd.s32 s0, s11;
	s1 =	sadd.s32 s1, s3;
	[dreg:$0x14] =	wrdreg s31  }
0xd: {  	s3 =	ssub.s32 s9, s26;
	[dreg:$0x15] =	wrdreg s0;
	s1 =	sadd.s32 $0x800, s1  }
0xe: {  	s17 =	simm.s32 $0x12400;
	s28 =	smax.u32 s3, $0x1;
	[dreg:$0x10] =	wrdreg s1  }
0xf: {  	s8 =	simm.s32 $0x1;
	[dreg:$0x11] =	wrdreg s28;
	s1 =	simm.s32 $0x0  }
.LBB2_1:
0x10: {  	[dreg:$0x16] =	wrdreg s1;
	s5 =	simm.s32 $0x0  }
0x11: {  	s0 =	rddreg [dreg:$0x10];
	s6 =	simm.s32 $0x3;
	s2 =	simm.s32 $0x80  }
0x12: {  	s3 =	simm.s32 $0x6400;
	s7 =	simm.s32 $0x8400;
	s9 =	simm.s32 $0x100  }
0x13: {  	s10 =	simm.s32 $0xA400;
	s11 =	simm.s32 $0x180;
	s13 =	simm.s32 $0x1000  }
0x14: {  	[tilespmem:s5], [sflag:$0x3] =	stream.linear.gather [hbm4b:s0+s5], $0x6400, $0x38;
	[tilespmem:$0x16400] =	vst v63  }
0x15: {  	s12 =	simm.s32 $0xC400;
	_ =	swait.ge [sflag:s6], $0x6400;
	[dreg:$0x3] =	wrdreg s13  }
0x16: {  	s26 =	simm.s32 $0x2000;
	[sflag:s6] =	ssyncset.done $0x0;
	s25 =	rddreg [dreg:$0x14]  }
0x17: {  	p1 =	por $0x1, $0x1;
	s13 =	rddreg [dreg:$0x12];
	[sflag:s6] =	ssyncadd.s32 $0xFFFF9C00  }
0x18: {  	s14 =	sadd.s32 $0x18, s25;
	s15 =	sadd.s32 $0x14, s25;
	s18 =	sadd.s32 $0xA000, s13  }
0x19: {  	s21 =	sadd.s32 $0xC000, s13;
	s22 =	sadd.s32 $0x4000, s13;
	s0 =	rddreg [dreg:$0x0]  }
0x1a: {  	[tilespmem:s3], [sflag:$0x1] =	stream.indirect.gather [hbm4b:s0+s2], $0x40, s5, s2, $0xb8;
	[tilespmem:$0x16400] =	vst v63  }
0x1b: {  	s24 =	sadd.s32 $0xE000, s13;
	s30 =	sadd.s32 $0x20, s25;
	s29 =	sadd.s32 $0x10000, s13  }
0x1c: {  	[tilespmem:s7], [sflag:$0x1] =	stream.indirect.gather [hbm4b:s0+s2], $0x40, s2, s2, $0xb8;
	[tilespmem:$0x16400] =	vst v63  }
0x1d: {  	s1 =	sand.u32 $0x40, s15;
	s20 =	sand.u32 $0x7FFC0000, s18;
	s23 =	sand.u32 $0x7FFC0000, s22  }
0x1e: {  	[tilespmem:s10], [sflag:$0x1] =	stream.indirect.gather [hbm4b:s0+s2], $0x40, s9, s2, $0xb8;
	[tilespmem:$0x16400] =	vst v63  }
0x1f: {  	[dreg:$0xb] =	wrdreg s23;
	s9 =	sadd.s32 $0x1C, s25;
	s10 =	sadd.s32 $0x10, s25  }
0x20: {  	s23 =	sand.u32 $0x7FFC0000, s13;
	s10 =	sand.u32 $0x40, s10;
	s9 =	sand.u32 $0x40, s9  }
0x21: {  	[tilespmem:s12], [sflag:$0x1] =	stream.indirect.gather [hbm4b:s0+s2], $0x40, s11, s2, $0xb8;
	[tilespmem:$0x16400] =	vst v63  }
0x22: {  	s12 =	rddreg [dreg:$0x15];
	s0 =	sand.u32 $0x40, s14;
	s11 =	sadd.s32 $0x8000, s13  }
0x23: {  	s16 =	sadd.s32 $0x18000, s12;
	s3 =	sadd.s32 $0x4000, s12;
	s5 =	sadd.s32 $0x8000, s12  }
0x24: {  	s4 =	sadd.s32 $0x1C000, s12;
	s6 =	sadd.s32 $0x10000, s12;
	s7 =	sadd.s32 $0x14000, s12  }
0x25: {  	s11 =	sand.u32 $0x7FFC0000, s11;
	s15 =	sadd.s32 $0xC000, s12;
	s31 =	sadd.s32 $0x20000, s12  }
0x26: {  	s12 =	simm.s32 @!p1 $0x2;
	s2 =	sand.u32 $0x38000, s16;
	s7 =	sand.u32 $0x34000, s7  }
0x27: {  	s6 =	sand.u32 $0x30000, s6;
	s19 =	sand.u32 $0x28000, s5;
	s4 =	sand.u32 $0x3C000, s4  }
0x28: {  	s16 =	sadd.s32 $0x2000, s13;
	s3 =	sand.u32 $0x24000, s3;
	s6 =	sor.u32 s6, s11  }
0x29: {  	s22 =	sadd.s32 $0x8000, s31;
	s5 =	sor.u32 s7, s20;
	s10 =	sor.u32 s10, s6  }
0x2a: {  	s1 =	sor.u32 s1, s5;
	s5 =	sand.u32 $0x7FFC0000, s24;
	s24 =	sadd.s32 $0x4000, s31  }
0x2b: {  	s6 =	sshrl.u32 s10, $0x3;
	s10 =	sand.u32 $0x7FFC0000, s21;
	s1 =	sshrl.u32 s1, $0x3  }
0x2c: {  	s7 =	sor.u32 s4, s5;
	s21 =	sadd.s32 $0xC, s25;
	[dreg:$0xa] =	wrdreg s24  }
0x2d: {  	s4 =	sadd.s32 $0x1C, s30;
	[dreg:$0x5] =	wrdreg s6;
	s2 =	sor.u32 s2, s10  }
0x2e: {  	s6 =	sadd.s32 $0x8, s25;
	[dreg:$0x8] =	wrdreg s1;
	s1 =	sor.u32 s9, s7  }
0x2f: {  	s7 =	sadd.s32 $0x18000, s31;
	s10 =	sadd.s32 $0x14000, s31;
	s21 =	sand.u32 $0x40, s21  }
0x30: {  	s11 =	sand.u32 $0x40, s6;
	s0 =	sor.u32 s0, s2;
	s14 =	sshrl.u32 s1, $0x3  }
0x31: {  	s1 =	sadd.s32 $0x6000, s13;
	s6 =	rddreg [dreg:$0x13];
	s2 =	sand.u32 $0x7FFC0000, s16  }
0x32: {  	s9 =	sand.u32 $0x38000, s7;
	s16 =	sand.u32 $0x34000, s10;
	[dreg:$0xc] =	wrdreg s11  }
0x33: {  	s0 =	sshrl.u32 s0, $0x3;
	[dreg:$0x6] =	wrdreg s14;
	s18 =	sshll.u32 s6, $0xE  }
0x34: {  	s20 =	sshll.u32 s6, $0x2;
	s14 =	sadd.s32 $0x18, s30;
	s24 =	sor.u32 s3, s2  }
0x35: {  	s11 =	sadd.s32 $0x1C000, s31;
	s1 =	sand.u32 $0x7FFC0000, s1;
	s2 =	simm.s32 $0x0  }
0x36: {  	[dreg:$0x7] =	wrdreg s0;
	s5 =	sand.u32 $0x20000, s18;
	s0 =	sand.u32 $0x2C000, s15  }
0x37: {  	s18 =	sadd.s32 $0x14, s30;
	s28 =	sand.u32 $0x40, s20;
	s15 =	sadd.s32 $0x10000, s31  }
0x38: {  	s20 =	sadd.s32 $0x10, s30;
	s23 =	sor.u32 s23, s5;
	s0 =	sor.u32 s0, s1  }
0x39: {  	s18 =	sand.u32 $0x40, s18;
	s5 =	sand.u32 $0x40, s14;
	_ =	swait.ge @!p1 [sflag:s12], $0x2000  }
0x3a: {  	[dreg:$0x9] =	wrdreg s6;
	s0 =	sor.u32 s21, s0;
	s21 =	sand.u32 $0x30000, s15  }
0x3b: {  	[sflag:s12] =	ssyncset.done @!p1 $0x0;
	s15 =	sshrl.u32 s0, $0x3;
	s0 =	sadd.s32 $0x4, s25  }
.LBB2_2:
0x3c: {  	s1 =	sadd.s32 $0x8000, s29;
	s25 =	sand.u32 $0x40, s20  }
0x3d: {  	[sflag:s12] =	ssyncadd.s32 @!p1 $0xFFFFE000;
	s3 =	rddreg [dreg:$0x3];
	s13 =	smov.u32 s26  }
0x3e: {  	s20 =	smov.u32 s2;
	s10 =	smov.u32 s3;
	[dreg:$0x3] =	wrdreg s13  }
0x3f: {  	s0 =	sand.u32 $0x40, s0;
	s14 =	sadd.s32 $0xA000, s29;
	[dreg:$0xd] =	wrdreg s10  }
0x40: {  	s2 =	sadd.s32 $0xC000, s29;
	s6 =	sadd.s32 $0x8, s30;
	_ =	swait.ge @!p1 [sflag:s12], $0x2000  }
0x41: {  	s7 =	sadd.s32 $0xE000, s29;
	s11 =	sand.u32 $0x3C000, s11;
	[sflag:s12] =	ssyncset.done @!p1 $0x0  }
0x42: {  	s1 =	sand.u32 $0x7FFC0000, s1;
	s3 =	sadd.s32 $0x4000, s29;
	[sflag:s12] =	ssyncadd.s32 @!p1 $0xFFFFE000  }
0x43: {  	s0 =	sor.u32 s0, s24;
	s24 =	sadd.s32 $0x2000, s29;
	_ =	swait.ge @!p1 [sflag:s12], $0x2000  }
0x44: {  	s1 =	sor.u32 s21, s1;
	s21 =	sand.u32 $0x28000, s22;
	[sflag:s12] =	ssyncset.done @!p1 $0x0  }
0x45: {  	s10 =	sand.u32 $0x40, s4;
	s0 =	sshrl.u32 s0, $0x3;
	[sflag:s12] =	ssyncadd.s32 @!p1 $0xFFFFE000  }
0x46: {  	s1 =	sor.u32 s25, s1;
	s25 =	sand.u32 $0x7FFC0000, s14;
	_ =	swait.ge @!p1 [sflag:s12], $0x2000  }
0x47: {  	s14 =	sshra.s32 s20, $0x2;
	s22 =	sshrl.u32 s1, $0x3;
	[sflag:s12] =	ssyncset.done @!p1 $0x0  }
0x48: {  	s1 =	sor.u32 s16, s25;
	s25 =	sand.u32 $0x7FFC0000, s2;
	[sflag:s12] =	ssyncadd.s32 @!p1 $0xFFFFE000  }
0x49: {  	s16 =	sand.u32 $0x7FFC0000, s3;
	s3 =	simm.s32 $0x80;
	_ =	swait.ge [sflag:s8], $0x2000  }
0x4a: {  	s1 =	sor.u32 s18, s1;
	s9 =	sor.u32 s9, s25;
	[sflag:s8] =	ssyncset.done $0x0  }
0x4b: {  	s18 =	sand.u32 $0x7FFC0000, s7;
	s7 =	sor.u32 s28, s23;
	[sflag:s8] =	ssyncadd.s32 $0xFFFFE000  }
0x4c: {  	s23 =	sadd.s32 $0x6000, s29;
	s1 =	sshrl.u32 s1, $0x3;
	_ =	swait.ge [sflag:s8], $0x2000  }
0x4d: {  	s11 =	sor.u32 s11, s18;
	s9 =	sor.u32 s5, s9;
	[sflag:s8] =	ssyncset.done $0x0  }
0x4e: {  	s5 =	smov.u32 s21;
	s21 =	simm.s32 $0x10400;
	[sflag:s8] =	ssyncadd.s32 $0xFFFFE000  }
0x4f: {  	s10 =	sor.u32 s10, s11;
	s18 =	sshrl.u32 s9, $0x3;
	_ =	swait.ge [sflag:s8], $0x2000  }
0x50: {  	s12 =	sand.u32 $0x40, s6;
	s13 =	rddreg [dreg:$0xb];
	[sflag:s8] =	ssyncset.done $0x0  }
0x51: {  	s6 =	sor.u32 s19, s13;
	[sflag:s8] =	ssyncadd.s32 $0xFFFFE000;
	s19 =	rddreg [dreg:$0xc]  }
0x52: {  	s11 =	sand.u32 $0x7FFC0000, s24;
	_ =	swait.ge [sflag:s8], $0x2000;
	[dreg:$0xf] =	wrdreg s23  }
0x53: {  	s24 =	sadd.s32 $0x300, s14;
	s25 =	sshrl.u32 s10, $0x3;
	[dreg:$0xe] =	wrdreg s5  }
0x54: {  	s10 =	sadd.s32 $0x200, s14;
	s6 =	sor.u32 s19, s6;
	s19 =	rddreg [dreg:$0x9]  }
0x55: {  	s13 =	sshrl.u32 s7, $0x3;
	[sflag:s8] =	ssyncset.done $0x0;
	s5 =	rddreg [dreg:$0x5]  }
0x56: {  	s7 =	smov.u32 s1;
	s2 =	rddreg [dreg:$0x4];
	[sflag:s8] =	ssyncadd.s32 $0xFFFFE000  }
0x57: {  	s23 =	sshrl.u32 s6, $0x3;
	s6 =	simm.s32 $0xE400;
	s4 =	rddreg [dreg:$0x0]  }
0x58: {  	[tilespmem:s6], [sflag:$0x1] =	stream.indirect.gather [hbm4b:s4+s3], $0x40, s10, s3, $0xb8;
	[tilespmem:$0x16400] =	vst v63  }
0x59: {  	s0 =	sadd.s32 s2, s0;
	s6 =	sadd.s32 $0x8, s19;
	s19 =	rddreg [dreg:$0x8]  }
0x5a: {  	s10 =	sadd.s32 $0x280, s14;
	s14 =	sadd.s32 $0x380, s14;
	[dreg:$0x8] =	wrdreg s7  }
0x5b: {  	[tilespmem:s21], [sflag:$0x1] =	stream.indirect.gather [hbm4b:s4+s3], $0x40, s10, s3, $0xb8;
	[tilespmem:$0x16400] =	vst v63  }
0x5c: {  	s7 =	sadd.s32 s2, s15;
	s21 =	smov.u32 s5;
	s10 =	smov.u32 s22  }
0x5d: {  	s22 =	simm.s32 $0x14400;
	[dreg:$0x5] =	wrdreg s10;
	s10 =	smov.u32 s12  }
0x5e: {  	[tilespmem:s17], [sflag:$0x1] =	stream.indirect.gather [hbm4b:s4+s3], $0x40, s24, s3, $0xb8;
	[tilespmem:$0x16400] =	vst v63  }
0x5f: {  	s12 =	simm.s32 $0x6400;
	s17 =	smov.u32 s16;
	[dreg:$0xc] =	wrdreg s10  }
0x60: {  	s16 =	smov.u32 s19;
	s24 =	sadd.s32 s2, s13;
	s13 =	rddreg [dreg:$0x7]  }
0x61: {  	[tilespmem:s22], [sflag:$0x1] =	stream.indirect.gather [hbm4b:s4+s3], $0x40, s14, s3, $0xb8;
	[tilespmem:$0x16400] =	vst v63  }
0x62: {  	s19 =	simm.s32 $0x40;
	[dreg:$0xb] =	wrdreg s17;
	s17 =	smov.u32 s18  }
0x63: {  	[hbm4b:s24+s19] =	stream.strided.scatter [tilespmem:s12], [sflag:$0x2], $0x2000, s3, s19, $0x38;
	[tilespmem:$0x16400] =	vst v63  }
0x64: {  	s5 =	simm.s32 $0xA400;
	s18 =	simm.s32 $0x8400;
	[dreg:$0x7] =	wrdreg s17  }
0x65: {  	[hbm4b:s0+s19] =	stream.strided.scatter [tilespmem:s18], [sflag:$0x2], $0x2000, s3, s19, $0x38;
	[tilespmem:$0x16400] =	vst v63  }
0x66: {  	s22 =	sadd.s32 s2, s23;
	s23 =	rddreg [dreg:$0x6];
	s24 =	smov.u32 s25  }
0x67: {  	[hbm4b:s22+s19] =	stream.strided.scatter [tilespmem:s5], [sflag:$0x2], $0x2000, s3, s19, $0x38;
	[tilespmem:$0x16400] =	vst v63  }
0x68: {  	s17 =	simm.s32 $0xC400;
	[dreg:$0x6] =	wrdreg s24;
	s18 =	simm.s32 $0x2  }
0x69: {  	[hbm4b:s7+s19] =	stream.strided.scatter [tilespmem:s17], [sflag:$0x2], $0x2000, s3, s19, $0x38;
	[tilespmem:$0x16400] =	vst v63  }
0x6a: {  	s15 =	rddreg [dreg:$0xa];
	_ =	swait.ge [sflag:s18], $0x2000  }
0x6b: {  	[sflag:s18] =	ssyncset.done $0x0  }
0x6c: {  	[sflag:s18] =	ssyncadd.s32 $0xFFFFE000  }
0x6d: {  	s26 =	sadd.s32 $0x1000, s26;
	p2 =	seq.s32 s20, $0x18000;
	_ =	swait.ge [sflag:s18], $0x2000  }
0x6e: {  	p0 =	sne.s32 s26, $0x19000;
	s28 =	simm.s32 @!p2 $0x80;
	[sflag:s18] =	ssyncset.done $0x0  }
0x6f: {  	s9 =	sadd.s32 $0xC000, s31;
	s31 =	sadd.s32 $0x20000, s31;
	[sflag:s18] =	ssyncadd.s32 $0xFFFFE000  }
0x70: {  	s1 =	sadd.s32 $0xC, s30;
	s21 =	sadd.s32 s2, s21;
	_ =	swait.ge [sflag:s18], $0x2000  }
0x71: {  	s10 =	smov.u32 s30;
	s30 =	sadd.s32 $0x20, s30;
	[sflag:s18] =	ssyncset.done $0x0  }
0x72: {  	s14 =	smov.u32 s13;
	s13 =	smov.u32 s23;
	[sflag:s18] =	ssyncadd.s32 $0xFFFFE000  }
0x73: {  	s23 =	sand.u32 $0x7FFC0000, s29;
	s14 =	sadd.s32 s2, s14;
	_ =	swait.ge [sflag:s18], $0x2000  }
0x74: {  	s29 =	sadd.s32 $0x10000, s29;
	s12 =	smov.u32 s15;
	[sflag:s18] =	ssyncset.done $0x0  }
0x75: {  	s25 =	sshll.u32 s6, $0x2;
	s15 =	sand.u32 $0x2C000, s9;
	[sflag:s18] =	ssyncadd.s32 $0xFFFFE000  }
0x76: {  	s13 =	sadd.s32 s2, s13;
	s24 =	simm.s32 @!p2 $0x6400;
	_ =	swait.ge [sflag:s8], $0x2000  }
0x77: {  	s12 =	sand.u32 $0x24000, s12;
	s22 =	sshll.u32 s6, $0xE;
	[sflag:s8] =	ssyncset.done $0x0  }
0x78: {  	s5 =	sshra.s32 @!p2 s20, $0x2;
	[dreg:$0x9] =	wrdreg s6;
	[sflag:s8] =	ssyncadd.s32 $0xFFFFE000  }
0x79: {  	s20 =	sadd.s32 $0x4000, s31;
	s18 =	rddreg [dreg:$0xd];
	_ =	swait.ge [sflag:s8], $0x2000  }
0x7a: {  	s0 =	sand.u32 $0x20000, s22;
	s9 =	sadd.s32 @!p2 $0x400, s5;
	[sflag:s8] =	ssyncset.done $0x0  }
0x7b: {  	s22 =	sadd.s32 @!p2 $0x480, s5;
	s17 =	sadd.s32 $0x18, s30;
	[sflag:s8] =	ssyncadd.s32 $0xFFFFE000  }
0x7c: {  	s7 =	sadd.s32 $0x14, s30;
	s23 =	sor.u32 s23, s0;
	_ =	swait.ge [sflag:s8], $0x2000  }
0x7d: {  	s0 =	sadd.s32 s2, s16;
	s16 =	simm.s32 @!p2 $0xA400;
	[sflag:s8] =	ssyncset.done $0x0  }
0x7e: {  	s6 =	sadd.s32 @!p2 $0x500, s5;
	s5 =	sadd.s32 @!p2 $0x580, s5;
	[sflag:s8] =	ssyncadd.s32 $0xFFFFE000  }
0x7f: {  	p1 =	seq.s32 s18, $0x0;
	_ =	swait.ge [sflag:s8], $0x2000;
	[dreg:$0xa] =	wrdreg s20  }
0x80: {  	s2 =	smov.u32 s18;
	[sflag:s8] =	ssyncset.done $0x0;
	s18 =	rddreg [dreg:$0xf]  }
0x81: {  	[sflag:s8] =	ssyncadd.s32 $0xFFFFE000;
	s20 =	sand.u32 $0x7FFC0000, s18;
	s18 =	sand.u32 $0x40, s7  }
0x82: {  	[tilespmem:s24], [sflag:$0x1] =	stream.indirect.gather @!p2 [hbm4b:s4+s28], $0x40, s9, s28, $0xb8;
	[tilespmem:$0x16400] =	vst v63  }
0x83: {  	s7 =	sand.u32 $0x40, s1;
	s9 =	simm.s32 @!p2 $0x8400;
	s24 =	sadd.s32 $0x18000, s31  }
0x84: {  	[tilespmem:s9], [sflag:$0x1] =	stream.indirect.gather @!p2 [hbm4b:s4+s28], $0x40, s22, s28, $0xb8;
	[tilespmem:$0x16400] =	vst v63  }
0x85: {  	s15 =	sor.u32 s15, s20;
	s20 =	sadd.s32 $0x10, s30;
	s9 =	sand.u32 $0x38000, s24  }
0x86: {  	[tilespmem:s16], [sflag:$0x1] =	stream.indirect.gather @!p2 [hbm4b:s4+s28], $0x40, s6, s28, $0xb8;
	[tilespmem:$0x16400] =	vst v63  }
0x87: {  	s24 =	sor.u32 s12, s11;
	s22 =	sadd.s32 $0x8000, s31;
	s6 =	simm.s32 @!p2 $0xC400  }
0x88: {  	[tilespmem:s6], [sflag:$0x1] =	stream.indirect.gather @!p2 [hbm4b:s4+s28], $0x40, s5, s28, $0xb8;
	[tilespmem:$0x16400] =	vst v63  }
0x89: {  	s11 =	sadd.s32 $0x1C000, s31;
	s12 =	simm.s32 $0xE400;
	s16 =	sadd.s32 $0x14000, s31  }
0x8a: {  	[hbm4b:s21+s19] =	stream.strided.scatter [tilespmem:s12], [sflag:$0x2], $0x2000, s3, s19, $0x38;
	[tilespmem:$0x16400] =	vst v63  }
0x8b: {  	s16 =	sand.u32 $0x34000, s16;
	s28 =	sand.u32 $0x40, s25;
	s21 =	simm.s32 $0x10400  }
0x8c: {  	[hbm4b:s0+s19] =	stream.strided.scatter [tilespmem:s21], [sflag:$0x2], $0x2000, s3, s19, $0x38;
	[tilespmem:$0x16400] =	vst v63  }
0x8d: {  	s6 =	sadd.s32 $0x10000, s31;
	s4 =	sadd.s32 $0x1C, s30;
	s25 =	simm.s32 $0x12400  }
0x8e: {  	[hbm4b:s14+s19] =	stream.strided.scatter [tilespmem:s25], [sflag:$0x2], $0x2000, s3, s19, $0x38;
	[tilespmem:$0x16400] =	vst v63  }
.Ltmp0:
0x8f: {  	s5 =	sand.u32 $0x40, s17;
	s17 =	simm.s32 $0x12400;
	(pc) =	sbr.rel @p0 .LBB2_2-.Ltmp0, $4  }
0x90: {  	s12 =	simm.s32 @!p1 $0x2;
	s21 =	sand.u32 $0x30000, s6;
	s14 =	simm.s32 $0x14400  }
0x91: {  	[hbm4b:s13+s19] =	stream.strided.scatter [tilespmem:s14], [sflag:$0x2], $0x2000, s3, s19, $0x38;
	[tilespmem:$0x16400] =	vst v63  }
0x92: {  	s25 =	sor.u32 s7, s15;
	s19 =	rddreg [dreg:$0xe];
	_ =	swait.ge @!p1 [sflag:s12], $0x2000  }
0x93: {  	s0 =	sadd.s32 $0x4, s10;
	s15 =	sshrl.u32 s25, $0x3;
	[sflag:s12] =	ssyncset.done @!p1 $0x0  }
0x94: {  	[sflag:s12] =	ssyncadd.s32 @!p1 $0xFFFFE000  }
0x95: {  	_ =	swait.ge @!p1 [sflag:s12], $0x2000  }
0x96: {  	[sflag:s12] =	ssyncset.done @!p1 $0x0  }
0x97: {  	[sflag:s12] =	ssyncadd.s32 @!p1 $0xFFFFE000  }
0x98: {  	_ =	swait.ge @!p1 [sflag:s12], $0x2000  }
0x99: {  	[sflag:s12] =	ssyncset.done @!p1 $0x0  }
0x9a: {  	[sflag:s12] =	ssyncadd.s32 @!p1 $0xFFFFE000  }
0x9b: {  	_ =	swait.ge @!p1 [sflag:s12], $0x2000  }
0x9c: {  	[sflag:s12] =	ssyncset.done @!p1 $0x0  }
0x9d: {  	[sflag:s12] =	ssyncadd.s32 @!p1 $0xFFFFE000  }
0x9e: {  	_ =	swait.ge [sflag:s8], $0x2000  }
0x9f: {  	[sflag:s8] =	ssyncset.done $0x0  }
0xa0: {  	[sflag:s8] =	ssyncadd.s32 $0xFFFFE000  }
0xa1: {  	_ =	swait.ge [sflag:s8], $0x2000  }
0xa2: {  	[sflag:s8] =	ssyncset.done $0x0  }
0xa3: {  	[sflag:s8] =	ssyncadd.s32 $0xFFFFE000  }
0xa4: {  	_ =	swait.ge [sflag:s8], $0x2000  }
0xa5: {  	[sflag:s8] =	ssyncset.done $0x0  }
0xa6: {  	s1 =	sshra.s32 s2, $0x2;
	[sflag:s8] =	ssyncadd.s32 $0xFFFFE000  }
0xa7: {  	s10 =	simm.s32 $0x80;
	s26 =	simm.s32 $0xE400;
	_ =	swait.ge [sflag:s8], $0x2000  }
0xa8: {  	s25 =	simm.s32 $0x10400;
	s14 =	simm.s32 $0x12400;
	[sflag:s8] =	ssyncset.done $0x0  }
0xa9: {  	s17 =	sor.u32 s28, s23;
	s28 =	simm.s32 $0x14400;
	[sflag:s8] =	ssyncadd.s32 $0xFFFFE000  }
0xaa: {  	s0 =	sand.u32 $0x40, s0;
	s6 =	sadd.s32 $0x200, s1;
	s7 =	rddreg [dreg:$0x0]  }
0xab: {  	[tilespmem:s26], [sflag:$0x1] =	stream.indirect.gather [hbm4b:s7+s10], $0x40, s6, s10, $0xb8;
	[tilespmem:$0x16400] =	vst v63  }
0xac: {  	s13 =	sadd.s32 $0x300, s1;
	s12 =	sadd.s32 $0x280, s1;
	s3 =	rddreg [dreg:$0xb]  }
0xad: {  	[tilespmem:s25], [sflag:$0x1] =	stream.indirect.gather [hbm4b:s7+s10], $0x40, s12, s10, $0xb8;
	[tilespmem:$0x16400] =	vst v63  }
0xae: {  	s23 =	sshrl.u32 s17, $0x3;
	s0 =	sor.u32 s0, s24;
	s17 =	rddreg [dreg:$0xc]  }
0xaf: {  	[tilespmem:s14], [sflag:$0x1] =	stream.indirect.gather [hbm4b:s7+s10], $0x40, s13, s10, $0xb8;
	[tilespmem:$0x16400] =	vst v63  }
0xb0: {  	s1 =	sadd.s32 $0x380, s1;
	s3 =	sor.u32 s19, s3;
	s19 =	rddreg [dreg:$0x4]  }
0xb1: {  	[tilespmem:s28], [sflag:$0x1] =	stream.indirect.gather [hbm4b:s7+s10], $0x40, s1, s10, $0xb8;
	[tilespmem:$0x16400] =	vst v63  }
0xb2: {  	s12 =	simm.s32 $0x40;
	s13 =	simm.s32 $0x6400;
	s1 =	sadd.s32 s19, s23  }
0xb3: {  	[hbm4b:s1+s12] =	stream.strided.scatter [tilespmem:s13], [sflag:$0x2], $0x2000, s10, s12, $0x38;
	[tilespmem:$0x16400] =	vst v63  }
0xb4: {  	s0 =	sshrl.u32 s0, $0x3;
	s1 =	sor.u32 s17, s3  }
0xb5: {  	s0 =	sadd.s32 s19, s0;
	s17 =	simm.s32 $0x8400;
	s1 =	sshrl.u32 s1, $0x3  }
0xb6: {  	[hbm4b:s0+s12] =	stream.strided.scatter [tilespmem:s17], [sflag:$0x2], $0x2000, s10, s12, $0x38;
	[tilespmem:$0x16400] =	vst v63  }
0xb7: {  	s24 =	simm.s32 $0xA400;
	s23 =	sadd.s32 s19, s1  }
0xb8: {  	[hbm4b:s23+s12] =	stream.strided.scatter [tilespmem:s24], [sflag:$0x2], $0x2000, s10, s12, $0x38;
	[tilespmem:$0x16400] =	vst v63  }
0xb9: {  	s3 =	sadd.s32 s19, s15;
	s15 =	simm.s32 $0xC400;
	s23 =	simm.s32 $0x2  }
0xba: {  	[hbm4b:s3+s12] =	stream.strided.scatter [tilespmem:s15], [sflag:$0x2], $0x2000, s10, s12, $0x38;
	[tilespmem:$0x16400] =	vst v63  }
0xbb: {  	_ =	swait.ge [sflag:s23], $0x2000  }
0xbc: {  	[sflag:s23] =	ssyncset.done $0x0  }
0xbd: {  	[sflag:s23] =	ssyncadd.s32 $0xFFFFE000  }
0xbe: {  	_ =	swait.ge [sflag:s23], $0x2000  }
0xbf: {  	[sflag:s23] =	ssyncset.done $0x0  }
0xc0: {  	[sflag:s23] =	ssyncadd.s32 $0xFFFFE000  }
0xc1: {  	_ =	swait.ge [sflag:s23], $0x2000  }
0xc2: {  	[sflag:s23] =	ssyncset.done $0x0  }
0xc3: {  	[sflag:s23] =	ssyncadd.s32 $0xFFFFE000  }
0xc4: {  	_ =	swait.ge [sflag:s23], $0x2000  }
0xc5: {  	[sflag:s23] =	ssyncset.done $0x0  }
0xc6: {  	[sflag:s23] =	ssyncadd.s32 $0xFFFFE000  }
0xc7: {  	_ =	swait.ge [sflag:s8], $0x2000  }
0xc8: {  	[sflag:s8] =	ssyncset.done $0x0  }
0xc9: {  	[sflag:s8] =	ssyncadd.s32 $0xFFFFE000  }
0xca: {  	_ =	swait.ge [sflag:s8], $0x2000  }
0xcb: {  	[sflag:s8] =	ssyncset.done $0x0  }
0xcc: {  	[sflag:s8] =	ssyncadd.s32 $0xFFFFE000  }
0xcd: {  	_ =	swait.ge [sflag:s8], $0x2000  }
0xce: {  	[sflag:s8] =	ssyncset.done $0x0  }
0xcf: {  	[sflag:s8] =	ssyncadd.s32 $0xFFFFE000  }
0xd0: {  	p0 =	seq.s32 s2, $0x18000;
	_ =	swait.ge [sflag:s8], $0x2000  }
0xd1: {  	s6 =	simm.s32 @!p0 $0x80;
	s0 =	sshra.s32 @!p0 s2, $0x2;
	[sflag:s8] =	ssyncset.done $0x0  }
0xd2: {  	s1 =	sadd.s32 @!p0 $0x400, s0;
	s3 =	simm.s32 @!p0 $0x6400;
	[sflag:s8] =	ssyncadd.s32 $0xFFFFE000  }
0xd3: {  	[tilespmem:s3], [sflag:$0x1] =	stream.indirect.gather @!p0 [hbm4b:s7+s6], $0x40, s1, s6, $0xb8;
	[tilespmem:$0x16400] =	vst v63  }
0xd4: {  	s1 =	sadd.s32 @!p0 $0x480, s0;
	s3 =	simm.s32 @!p0 $0x8400  }
0xd5: {  	[tilespmem:s3], [sflag:$0x1] =	stream.indirect.gather @!p0 [hbm4b:s7+s6], $0x40, s1, s6, $0xb8;
	[tilespmem:$0x16400] =	vst v63  }
0xd6: {  	s1 =	sadd.s32 @!p0 $0x500, s0;
	s3 =	simm.s32 @!p0 $0xA400  }
0xd7: {  	[tilespmem:s3], [sflag:$0x1] =	stream.indirect.gather @!p0 [hbm4b:s7+s6], $0x40, s1, s6, $0xb8;
	[tilespmem:$0x16400] =	vst v63  }
0xd8: {  	s24 =	rddreg [dreg:$0x8];
	s0 =	sadd.s32 @!p0 $0x580, s0;
	s1 =	simm.s32 @!p0 $0xC400  }
0xd9: {  	[tilespmem:s1], [sflag:$0x1] =	stream.indirect.gather @!p0 [hbm4b:s7+s6], $0x40, s0, s6, $0xb8;
	[tilespmem:$0x16400] =	vst v63  }
0xda: {  	s6 =	rddreg [dreg:$0x5]  }
0xdb: {  	s1 =	rddreg [dreg:$0x7];
	s0 =	sadd.s32 s19, s6  }
0xdc: {  	[hbm4b:s0+s12] =	stream.strided.scatter [tilespmem:s26], [sflag:$0x2], $0x2000, s10, s12, $0x38;
	[tilespmem:$0x16400] =	vst v63  }
0xdd: {  	s0 =	sadd.s32 s19, s24;
	s24 =	rddreg [dreg:$0x3]  }
0xde: {  	[hbm4b:s0+s12] =	stream.strided.scatter [tilespmem:s25], [sflag:$0x2], $0x2000, s10, s12, $0x38;
	[tilespmem:$0x16400] =	vst v63  }
0xdf: {  	s2 =	rddreg [dreg:$0x6];
	p0 =	seq.s32 s24, $0x0;
	s0 =	sadd.s32 s19, s1  }
0xe0: {  	[hbm4b:s0+s12] =	stream.strided.scatter [tilespmem:s14], [sflag:$0x2], $0x2000, s10, s12, $0x38;
	[tilespmem:$0x16400] =	vst v63  }
0xe1: {  	s1 =	simm.s32 @!p0 $0x2;
	s0 =	sadd.s32 s19, s2  }
0xe2: {  	[hbm4b:s0+s12] =	stream.strided.scatter [tilespmem:s28], [sflag:$0x2], $0x2000, s10, s12, $0x38;
	[tilespmem:$0x16400] =	vst v63  }
0xe3: {  	_ =	swait.ge @!p0 [sflag:s1], $0x2000  }
0xe4: {  	[sflag:s1] =	ssyncset.done @!p0 $0x0  }
0xe5: {  	[sflag:s1] =	ssyncadd.s32 @!p0 $0xFFFFE000  }
0xe6: {  	_ =	swait.ge @!p0 [sflag:s1], $0x2000  }
0xe7: {  	[sflag:s1] =	ssyncset.done @!p0 $0x0  }
0xe8: {  	[sflag:s1] =	ssyncadd.s32 @!p0 $0xFFFFE000  }
0xe9: {  	_ =	swait.ge @!p0 [sflag:s1], $0x2000  }
0xea: {  	[sflag:s1] =	ssyncset.done @!p0 $0x0  }
0xeb: {  	[sflag:s1] =	ssyncadd.s32 @!p0 $0xFFFFE000  }
0xec: {  	_ =	swait.ge @!p0 [sflag:s1], $0x2000  }
0xed: {  	[sflag:s1] =	ssyncset.done @!p0 $0x0  }
0xee: {  	[sflag:s1] =	ssyncadd.s32 @!p0 $0xFFFFE000  }
0xef: {  	_ =	swait.ge [sflag:s8], $0x2000  }
0xf0: {  	[sflag:s8] =	ssyncset.done $0x0  }
0xf1: {  	[sflag:s8] =	ssyncadd.s32 $0xFFFFE000  }
0xf2: {  	_ =	swait.ge [sflag:s8], $0x2000  }
0xf3: {  	[sflag:s8] =	ssyncset.done $0x0  }
0xf4: {  	[sflag:s8] =	ssyncadd.s32 $0xFFFFE000  }
0xf5: {  	_ =	swait.ge [sflag:s8], $0x2000  }
0xf6: {  	[sflag:s8] =	ssyncset.done $0x0  }
0xf7: {  	[sflag:s8] =	ssyncadd.s32 $0xFFFFE000  }
0xf8: {  	_ =	swait.ge [sflag:s8], $0x2000  }
0xf9: {  	s0 =	sshra.s32 s24, $0x2;
	[sflag:s8] =	ssyncset.done $0x0  }
0xfa: {  	s3 =	sadd.s32 $0x200, s0;
	s2 =	rddreg [dreg:$0x9];
	[sflag:s8] =	ssyncadd.s32 $0xFFFFE000  }
0xfb: {  	[tilespmem:s26], [sflag:$0x1] =	stream.indirect.gather [hbm4b:s7+s10], $0x40, s3, s10, $0xb8;
	[tilespmem:$0x16400] =	vst v63  }
0xfc: {  	s6 =	sadd.s32 $0x280, s0;
	s1 =	sadd.s32 $0x8, s2;
	s3 =	sadd.s32 $0x300, s0  }
0xfd: {  	[tilespmem:s25], [sflag:$0x1] =	stream.indirect.gather [hbm4b:s7+s10], $0x40, s6, s10, $0xb8;
	[tilespmem:$0x16400] =	vst v63  }
0xfe: {  	s0 =	sadd.s32 $0x380, s0;
	s6 =	sshll.u32 s1, $0xE;
	s1 =	sshll.u32 s1, $0x2  }
0xff: {  	[tilespmem:s14], [sflag:$0x1] =	stream.indirect.gather [hbm4b:s7+s10], $0x40, s3, s10, $0xb8;
	[tilespmem:$0x16400] =	vst v63  }
0x100: {  	s2 =	sand.u32 $0x20000, s6;
	s1 =	sand.u32 $0x40, s1;
	s3 =	sand.u32 $0x7FFC0000, s29  }
0x101: {  	[tilespmem:s28], [sflag:$0x1] =	stream.indirect.gather [hbm4b:s7+s10], $0x40, s0, s10, $0xb8;
	[tilespmem:$0x16400] =	vst v63  }
0x102: {  	s6 =	sadd.s32 $0x2000, s29;
	s0 =	sor.u32 s3, s2;
	s2 =	sand.u32 $0x28000, s22  }
0x103: {  	s3 =	sadd.s32 $0xC000, s31;
	s22 =	rddreg [dreg:$0xa];
	s31 =	sadd.s32 $0x6000, s29  }
0x104: {  	s0 =	sor.u32 s1, s0;
	s1 =	sand.u32 $0x7FFC0000, s6;
	s6 =	sand.u32 $0x24000, s22  }
0x105: {  	s22 =	sadd.s32 $0x4000, s29;
	s3 =	sand.u32 $0x2C000, s3;
	s0 =	sshrl.u32 s0, $0x3  }
0x106: {  	s1 =	sor.u32 s6, s1;
	s6 =	sand.u32 $0x7FFC0000, s31;
	s31 =	sadd.s32 $0x4, s30  }
0x107: {  	s0 =	sadd.s32 s19, s0;
	s3 =	sor.u32 s3, s6;
	s6 =	sand.u32 $0x40, s31  }
0x108: {  	[hbm4b:s0+s12] =	stream.strided.scatter [tilespmem:s13], [sflag:$0x2], $0x2000, s10, s12, $0x38;
	[tilespmem:$0x16400] =	vst v63  }
0x109: {  	s0 =	sand.u32 $0x7FFC0000, s22;
	s13 =	sadd.s32 $0x8, s30;
	s1 =	sor.u32 s6, s1  }
0x10a: {  	s22 =	sadd.s32 $0xC, s30;
	s0 =	sor.u32 s2, s0;
	s2 =	sand.u32 $0x40, s13  }
0x10b: {  	s30 =	sand.u32 $0x40, s22;
	s1 =	sshrl.u32 s1, $0x3;
	s0 =	sor.u32 s2, s0  }
0x10c: {  	s2 =	sor.u32 s30, s3;
	s1 =	sadd.s32 s19, s1;
	s0 =	sshrl.u32 s0, $0x3  }
0x10d: {  	[hbm4b:s1+s12] =	stream.strided.scatter [tilespmem:s17], [sflag:$0x2], $0x2000, s10, s12, $0x38;
	[tilespmem:$0x16400] =	vst v63  }
0x10e: {  	s3 =	simm.s32 $0xA400;
	s31 =	sshrl.u32 s2, $0x3;
	s0 =	sadd.s32 s19, s0  }
0x10f: {  	[hbm4b:s0+s12] =	stream.strided.scatter [tilespmem:s3], [sflag:$0x2], $0x2000, s10, s12, $0x38;
	[tilespmem:$0x16400] =	vst v63  }
0x110: {  	s6 =	sadd.s32 s19, s31  }
0x111: {  	[hbm4b:s6+s12] =	stream.strided.scatter [tilespmem:s15], [sflag:$0x2], $0x2000, s10, s12, $0x38;
	[tilespmem:$0x16400] =	vst v63  }
0x112: {  	_ =	swait.ge [sflag:s23], $0x2000  }
0x113: {  	[sflag:s23] =	ssyncset.done $0x0  }
0x114: {  	[sflag:s23] =	ssyncadd.s32 $0xFFFFE000  }
0x115: {  	_ =	swait.ge [sflag:s23], $0x2000  }
0x116: {  	[sflag:s23] =	ssyncset.done $0x0  }
0x117: {  	[sflag:s23] =	ssyncadd.s32 $0xFFFFE000  }
0x118: {  	_ =	swait.ge [sflag:s23], $0x2000  }
0x119: {  	[sflag:s23] =	ssyncset.done $0x0  }
0x11a: {  	[sflag:s23] =	ssyncadd.s32 $0xFFFFE000  }
0x11b: {  	_ =	swait.ge [sflag:s23], $0x2000  }
0x11c: {  	[sflag:s23] =	ssyncset.done $0x0  }
0x11d: {  	[sflag:s23] =	ssyncadd.s32 $0xFFFFE000  }
0x11e: {  	_ =	swait.ge [sflag:s8], $0x2000  }
0x11f: {  	[sflag:s8] =	ssyncset.done $0x0  }
0x120: {  	[sflag:s8] =	ssyncadd.s32 $0xFFFFE000  }
0x121: {  	_ =	swait.ge [sflag:s8], $0x2000  }
0x122: {  	[sflag:s8] =	ssyncset.done $0x0  }
0x123: {  	[sflag:s8] =	ssyncadd.s32 $0xFFFFE000  }
0x124: {  	_ =	swait.ge [sflag:s8], $0x2000  }
0x125: {  	[sflag:s8] =	ssyncset.done $0x0  }
0x126: {  	[sflag:s8] =	ssyncadd.s32 $0xFFFFE000  }
0x127: {  	p0 =	seq.s32 s24, $0x18000;
	_ =	swait.ge [sflag:s8], $0x2000  }
0x128: {  	s2 =	simm.s32 @!p0 $0x80;
	s0 =	sshra.s32 @!p0 s24, $0x2;
	[sflag:s8] =	ssyncset.done $0x0  }
0x129: {  	s3 =	simm.s32 @!p0 $0x6400;
	s1 =	sadd.s32 @!p0 $0x400, s0;
	[sflag:s8] =	ssyncadd.s32 $0xFFFFE000  }
0x12a: {  	[tilespmem:s3], [sflag:$0x1] =	stream.indirect.gather @!p0 [hbm4b:s7+s2], $0x40, s1, s2, $0xb8;
	[tilespmem:$0x16400] =	vst v63  }
0x12b: {  	s1 =	sadd.s32 @!p0 $0x480, s0;
	s3 =	simm.s32 @!p0 $0x8400  }
0x12c: {  	[tilespmem:s3], [sflag:$0x1] =	stream.indirect.gather @!p0 [hbm4b:s7+s2], $0x40, s1, s2, $0xb8;
	[tilespmem:$0x16400] =	vst v63  }
0x12d: {  	s1 =	sadd.s32 @!p0 $0x500, s0;
	s3 =	simm.s32 @!p0 $0xA400  }
0x12e: {  	[tilespmem:s3], [sflag:$0x1] =	stream.indirect.gather @!p0 [hbm4b:s7+s2], $0x40, s1, s2, $0xb8;
	[tilespmem:$0x16400] =	vst v63  }
0x12f: {  	s13 =	sadd.s32 $0x8000, s29;
	s0 =	sadd.s32 @!p0 $0x580, s0;
	s1 =	simm.s32 @!p0 $0xC400  }
0x130: {  	[tilespmem:s1], [sflag:$0x1] =	stream.indirect.gather @!p0 [hbm4b:s7+s2], $0x40, s0, s2, $0xb8;
	[tilespmem:$0x16400] =	vst v63  }
0x131: {  	s17 =	sadd.s32 $0xA000, s29;
	s0 =	sand.u32 $0x7FFC0000, s13  }
0x132: {  	s15 =	sand.u32 $0x40, s20;
	s20 =	sand.u32 $0x7FFC0000, s17;
	s0 =	sor.u32 s21, s0  }
0x133: {  	s1 =	sor.u32 s16, s20;
	s0 =	sor.u32 s15, s0  }
0x134: {  	s1 =	sor.u32 s18, s1;
	s0 =	sshrl.u32 s0, $0x3  }
0x135: {  	s21 =	sshrl.u32 s1, $0x3;
	s0 =	sadd.s32 s19, s0  }
0x136: {  	[hbm4b:s0+s12] =	stream.strided.scatter [tilespmem:s26], [sflag:$0x2], $0x2000, s10, s12, $0x38;
	[tilespmem:$0x16400] =	vst v63  }
0x137: {  	s22 =	sadd.s32 $0xC000, s29;
	s0 =	sadd.s32 s19, s21  }
0x138: {  	[hbm4b:s0+s12] =	stream.strided.scatter [tilespmem:s25], [sflag:$0x2], $0x2000, s10, s12, $0x38;
	[tilespmem:$0x16400] =	vst v63  }
0x139: {  	s24 =	sadd.s32 $0xE000, s29;
	s0 =	sand.u32 $0x7FFC0000, s22  }
0x13a: {  	s1 =	sand.u32 $0x7FFC0000, s24;
	s25 =	sand.u32 $0x3C000, s11;
	s0 =	sor.u32 s9, s0  }
0x13b: {  	s26 =	sand.u32 $0x40, s4;
	s1 =	sor.u32 s25, s1;
	s0 =	sor.u32 s5, s0  }
0x13c: {  	s1 =	sor.u32 s26, s1;
	s0 =	sshrl.u32 s0, $0x3  }
0x13d: {  	s29 =	sshrl.u32 s1, $0x3;
	s0 =	sadd.s32 s19, s0  }
0x13e: {  	[hbm4b:s0+s12] =	stream.strided.scatter [tilespmem:s14], [sflag:$0x2], $0x2000, s10, s12, $0x38;
	[tilespmem:$0x16400] =	vst v63  }
0x13f: {  	s0 =	sadd.s32 s19, s29  }
0x140: {  	[hbm4b:s0+s12] =	stream.strided.scatter [tilespmem:s28], [sflag:$0x2], $0x2000, s10, s12, $0x38;
	[tilespmem:$0x16400] =	vst v63  }
0x141: {  	_ =	swait.ge [sflag:s23], $0x2000  }
0x142: {  	[sflag:s23] =	ssyncset.done $0x0  }
0x143: {  	[sflag:s23] =	ssyncadd.s32 $0xFFFFE000  }
0x144: {  	_ =	swait.ge [sflag:s23], $0x2000  }
0x145: {  	[sflag:s23] =	ssyncset.done $0x0  }
0x146: {  	[sflag:s23] =	ssyncadd.s32 $0xFFFFE000  }
0x147: {  	_ =	swait.ge [sflag:s23], $0x2000  }
0x148: {  	[sflag:s23] =	ssyncset.done $0x0  }
0x149: {  	[sflag:s23] =	ssyncadd.s32 $0xFFFFE000  }
0x14a: {  	_ =	swait.ge [sflag:s23], $0x2000  }
0x14b: {  	s30 =	rddreg [dreg:$0x16]  }
0x14c: {  	s31 =	rddreg [dreg:$0x11];
	s1 =	sadd.s32 $0x1, s30  }
0x14d: {  	p0 =	sne.s32 s1, s31  }
.Ltmp1:
0x14e: {  	_ = 	snop;
	(pc) =	sbr.rel @p0 .LBB2_1-.Ltmp1, $3  }
0x14f: {  	_ =	sdelay $0x1  }
0x150: {  	[sflag:s23] =	ssyncset.done $0x0  }
0x151: {  	s17 =	simm.s32 $0x12400;
	[sflag:s23] =	ssyncadd.s32 $0xFFFFE000  }
0x152: {  	_ =	sfence.sel $0x180000  }
0x153: {  	[bflag:$0x0] =	sbarrier.arrive $0xFFFF  }
0x154: {  	_ =	strace $0x90000047  }
0x155: {  	s0 =	stileid.u32;
	[bflag:$0x2] =	sbarrier.arrive $0xFFFF  }
0x156: {  	p0 =	sne.s32 s0, $0x0;
	s0 =	rddreg [dreg:$0x2]  }
0x157: {  	s0 =	sadd.s32 @!p0 $0x100000, s0  }
0x158: {  	[sflag:s0] =	ssyncadd.tile.s32 @!p0 $0x1;
	_ =	shalt  }
.Lfunc_end2:
_tile_overlayer_lowered:
.L_overlay_start_2:
0x159: {  	(tag) =	ssettag $0x2  }
0x15a: {  	s0 =	rddreg [dreg:$0x0];
	s2 =	stileid.u32  }
0x15b: {  	s1 =	rddreg [dreg:$0x1];
	p0 =	sne.s32 s2, $0x0  }
0x15c: {  	s3 =	rddreg [dreg:$0x2];
	[bflag:$0x3] =	sbarrier.arrive $0xFFFF;
	s2 =	simm.s32 @!p0 $0x1C03  }
0x15d: {  	[timem:s3], [sflag:s2] =	dma.local @!p0 [hbm:s0], s1  }
0x15e: {  	s0 =	simm.s32 @!p0 $0x3  }
0x15f: {  	_ =	swait.ge @!p0 [sflag:s0], s1  }
0x160: {  	s1 =	ssub.s32 @!p0 $0x0, s1;
	[sflag:s0] =	ssyncset.done @!p0 $0x0  }
0x161: {  	[sflag:s0] =	ssyncadd.s32 @!p0 s1  }
0x162: {  	[bflag:$0x3] =	sbarrier.arrive $0xFFFF  }
0x163: {  	_ =	shalt  }

</sc_bundles>
